<compile_context>
chip_gen: v7x
topology: tpu7x:2x2x1
jax: 0.10.2.dev20260603
libtpu: 0.0.44.dev20260713+nightly
codegen_flags: <defaults>
</compile_context>

<pallas_src>
import functools

import jax
import jax.numpy as jnp
from jax import lax
from jax.experimental import pallas as pl
from jax.experimental.pallas import tpu as pltpu
from jax.experimental.pallas import tpu_sc as plsc

NB = 4
N = 4096
D = 128
NID = 64
MARGIN_C = 0.3
EPS_C = 1e-08

NC = 2
NS = 16
NW = NC * NS
WROWS = NB * N // NW
CHUNK = 128
NCHUNK = WROWS // CHUNK
LANES = 16

@functools.lru_cache(maxsize=None)
def _build_sc_segment_sums():
    mesh = plsc.VectorSubcoreMesh(
        core_axis_name="c", subcore_axis_name="s", num_cores=NC, num_subcores=NS
    )
    return functools.partial(
        pl.kernel,
        out_type=jax.ShapeDtypeStruct((NC, NB * NID, D), jnp.float32),
        mesh=mesh,
        scratch_types=[
            pltpu.VMEM((WROWS, D), jnp.float32),
            pltpu.VMEM((WROWS,), jnp.int32),
            pltpu.VMEM((NCHUNK, CHUNK), jnp.int32),
            pltpu.VMEM((NB * NID // NS, D), jnp.float32),
            pltpu.VMEM_SHARED((NB * NID, D), jnp.float32),
            pltpu.SemaphoreType.DMA,
            pltpu.SemaphoreType.DMA,
            pltpu.SemaphoreType.DMA,
            pltpu.SemaphoreType.DMA,
            pltpu.SemaphoreType.DMA,
            pltpu.SemaphoreType.DMA,
        ],
    )(_sc_segment_sums_body)


def _sc_segment_sums_body(
    feats_hbm, tgt_hbm, out_hbm, fbuf, tbuf, ibuf, zbuf, acc,
    sem_t, sem_a, sem_b, sem_c, sem_d, sem_s
):
    cid = lax.axis_index("c")
    sid = lax.axis_index("s")
    wid = sid * NC + cid
    branch = wid // (NW // NB)
    group = lax.rem(wid, NW // NB)
    rbase = branch * N + group * WROWS
    tbase = group * WROWS

    cp_t = pltpu.async_copy(tgt_hbm.at[pl.ds(tbase, WROWS)], tbuf, sem_t)
    qsems = (sem_a, sem_b, sem_c, sem_d)
    qcps = [
        pltpu.async_copy(
            feats_hbm.at[pl.ds(rbase + q * CHUNK, CHUNK)],
            fbuf.at[pl.ds(q * CHUNK, CHUNK)],
            qsems[q],
        )
        for q in range(NCHUNK)
    ]

    zrows = NB * NID // NS
    zero_v = jnp.zeros((LANES,), jnp.float32)
    for r in range(zrows):
        for v in range(D // LANES):
            zbuf[r, pl.ds(v * LANES, LANES)] = zero_v
    pltpu.sync_copy(zbuf, acc.at[pl.ds(sid * zrows, zrows)])

    cp_t.wait()
    off = jnp.full((LANES,), branch * NID, jnp.int32)
    for q in range(NCHUNK):
        for v in range(CHUNK // LANES):
            ibuf[q, pl.ds(v * LANES, LANES)] = tbuf[pl.ds(q * CHUNK + v * LANES, LANES)] + off
    plsc.subcore_barrier()

    scps = []
    for q in range(NCHUNK):
        qcps[q].wait()
        scps.append(
            pltpu.async_copy(
                fbuf.at[pl.ds(q * CHUNK, CHUNK)], acc.at[ibuf.at[q]], sem_s, add=True
            )
        )
    for cp in scps:
        cp.wait()
    plsc.subcore_barrier()

    @pl.when(sid == 0)
    def _():
        pltpu.sync_copy(acc, out_hbm.at[cid])


def _tc_loss_body(part_ref, tgt_ref, out_ref):
    sums = part_ref[0] + part_ref[1]
    tgt = tgt_ref[...]

    ids2 = lax.broadcasted_iota(jnp.int32, (NID, N), 0)
    onehot = (jnp.broadcast_to(tgt, (NID, N)) == ids2).astype(jnp.float32)
    counts = jnp.sum(onehot, axis=1, keepdims=True)
    present_f = jnp.minimum(counts, 1.0)
    denom = jnp.maximum(counts, 1.0)

    centers = [sums[b * NID:(b + 1) * NID, :] / denom for b in range(NB)]

    n_ids = jnp.sum(present_f)
    has_other_f = jnp.minimum(jnp.maximum(n_ids - present_f, 0.0), 1.0)
    contrib_f = present_f * has_other_f

    BIGP = jnp.float32(1e30)
    eye_f = (
        lax.broadcasted_iota(jnp.int32, (NID, NID), 0)
        == lax.broadcasted_iota(jnp.int32, (NID, NID), 1)
    ).astype(jnp.float32)
    pen = (eye_f + jnp.reshape(1.0 - present_f, (1, NID))) * BIGP

    hard = []
    for i in range(NB - 1):
        c = centers[i]
        sq = jnp.sum(c * c, axis=1, keepdims=True)
        gram = lax.dot_general(
            c, c, (((1,), (1,)), ((), ())),
            precision=lax.Precision.HIGHEST,
        )
        d2 = jnp.maximum(sq + jnp.reshape(sq, (1, NID)) - 2.0 * gram, 0.0)
        hard.append(jnp.sqrt(jnp.min(d2 + pen, axis=1, keepdims=True)))

    per_id = jnp.zeros((NID, 1), jnp.float32)
    for i in range(NB):
        for j in range(i + 1, NB):
            dij = centers[i] - centers[j] + EPS_C
            pos = jnp.sqrt(jnp.sum(dij * dij, axis=1, keepdims=True))
            per_id = per_id + jnp.maximum(MARGIN_C + pos - hard[i], 0.0)
    total = jnp.sum(per_id * contrib_f)

    pair_count = NB * (NB - 1) // 2
    valid_pairs = pair_count * jnp.where(n_ids > 1.0, n_ids, 0.0)
    safe_vp = jnp.maximum(valid_pairs, 1.0)
    loss = jnp.where(valid_pairs > 0.0, total / safe_vp, 0.0)
    out_ref[...] = jnp.reshape(loss, (1, 1))


_tc_loss = pl.pallas_call(
    _tc_loss_body,
    out_shape=jax.ShapeDtypeStruct((1, 1), jnp.float32),
)


def kernel(branch_feats, targets):
    t32 = targets.astype(jnp.int32)
    feats_flat = branch_feats.reshape(NB * N, D)
    partials = _build_sc_segment_sums()(feats_flat, t32)
    loss = _tc_loss(partials, t32.reshape(1, N))
    return loss[0, 0]

# --- scband reference (transcript-rebuilt; emitter-appended) ---
"""Pipeline reference for scband-optimized-cpmloss-5746666242354 (READ-ONLY COPY).

The authoritative reference and input builder live on the scoring server;
editing this copy changes nothing except your own understanding.
"""

import jax, jax.numpy as jnp
import numpy as np

NUM_BRANCHES = 4
MARGIN = 0.3
EPS = 1e-08
NUM_IDS = 64


def setup_inputs(seed: int = 0) -> dict:
    key = jax.random.key(seed)
    k1, k2 = jax.random.split(key)
    branch_feats = jax.random.normal(k1, (NUM_BRANCHES, 4096, 128), dtype=jnp.float32)
    targets = jnp.sort(jax.random.randint(k2, (4096,), 0, 64, dtype=jnp.int64))
    return {"branch_feats": branch_feats, "targets": targets}


def _compute_loss(branch_feats, targets):
    uids = jnp.arange(NUM_IDS, dtype=targets.dtype)
    masks = targets[None, :] == uids[:, None]
    counts = masks.sum(axis=1)
    present = counts > 0
    n_ids = present.sum()
    centers = []
    for b in range(NUM_BRANCHES):
        feat = branch_feats[b]
        m_f = masks.astype(feat.dtype)
        branch_centers = (feat[None, :, :] * m_f[:, :, None]).sum(axis=1)
        denom = jnp.where(counts > 0, counts, 1).astype(feat.dtype)
        branch_centers = branch_centers / denom[:, None]
        branch_centers = jnp.where(
            (counts <= 1)[:, None],
            jax.lax.stop_gradient(branch_centers),
            branch_centers,
        )
        centers.append(branch_centers)
    loss = jnp.asarray(0.0, dtype=branch_feats.dtype)
    big = jnp.asarray(jnp.inf, dtype=branch_feats.dtype)
    zero = jnp.asarray(0.0, dtype=branch_feats.dtype)
    eye = jnp.eye(NUM_IDS, dtype=bool)
    for i in range(NUM_BRANCHES):
        for j in range(i + 1, NUM_BRANCHES):
            diff_ij = centers[i] - centers[j] + EPS
            pos_dist = jnp.sqrt((diff_ij * diff_ij).sum(axis=1))
            d = centers[i][:, None, :] - centers[i][None, :, :]
            neg_dists = jnp.sqrt((d * d).sum(axis=2))
            valid_neg = present[None, :] & (~eye)
            neg_masked = jnp.where(valid_neg, neg_dists, big)
            hard_neg = neg_masked.min(axis=1)
            has_other = valid_neg.any(axis=1)
            term = jax.nn.relu(MARGIN + pos_dist - hard_neg)
            contrib = present & has_other
            for k in range(NUM_IDS):
                loss = loss + jnp.where(contrib[k], term[k], zero)
    pair_count = NUM_BRANCHES * (NUM_BRANCHES - 1) // 2
    valid_pairs = pair_count * jnp.where(n_ids > 1, n_ids, 0)
    safe_vp = jnp.maximum(valid_pairs, 1).astype(loss.dtype)
    return jnp.where(valid_pairs > 0, loss / safe_vp, zero)


def reference(branch_feats, targets):
    return _compute_loss(branch_feats, targets)

if __name__ == "__main__":
    import jax
    _d = setup_inputs()
    print(jax.jit(kernel)(*tuple(_d.values())))

</pallas_src>

<mosaic_0001>
#map = affine_map<(d0, d1) -> (0, 0)>
#map1 = affine_map<(d0, d1) -> (0)>
#map2 = affine_map<(d0, d1) -> (0, 0, 0)>
module attributes {stable_mosaic.version = 14 : i64} {
  func.func @_sc_segment_sums_body(%arg0: i32, %arg1: i32, %arg2: memref<16384x128xf32, #tpu.memory_space<hbm>>, %arg3: memref<4096xi32, #tpu.memory_space<hbm>>, %arg4: memref<2x256x128xf32, #tpu.memory_space<hbm>>, %arg5: memref<512x128xf32, #tpu.memory_space<vmem>>, %arg6: memref<512xi32, #tpu.memory_space<vmem>>, %arg7: memref<4x128xi32, #tpu.memory_space<vmem>>, %arg8: memref<16x128xf32, #tpu.memory_space<vmem>>, %arg9: memref<256x128xf32, #tpu.memory_space<vmem_shared>>, %arg10: memref<!tpu.dma_semaphore, #tpu.memory_space<semaphore_mem>>, %arg11: memref<!tpu.dma_semaphore, #tpu.memory_space<semaphore_mem>>, %arg12: memref<!tpu.dma_semaphore, #tpu.memory_space<semaphore_mem>>, %arg13: memref<!tpu.dma_semaphore, #tpu.memory_space<semaphore_mem>>, %arg14: memref<!tpu.dma_semaphore, #tpu.memory_space<semaphore_mem>>, %arg15: memref<!tpu.dma_semaphore, #tpu.memory_space<semaphore_mem>>) attributes {dimension_semantics = [#tpu.dimension_semantics<core_parallel>, #tpu.dimension_semantics<subcore_parallel>], iteration_bounds = array<i64: 2, 16>, scalar_prefetch = 0 : i64, scratch_operands = 11 : i64, tpu.core_type = #tpu.core_type<sc_vector_subcore>, window_params = [{transform_indices = #map}, {transform_indices = #map1}, {transform_indices = #map2}]} {
    %mul3A = arith.constant 2 : i32
    %mul3A_0 = arith.muli %arg1, %mul3A : i32
    %add3A = arith.addi %mul3A_0, %arg0 : i32
    %jit3A = arith.constant 8 : i32
    %div3A = arith.divsi %add3A, %jit3A : i32
    %sign3A = arith.constant 0 : i32
    %sign3A_1 = arith.cmpi sgt, %add3A, %sign3A : i32
    %sign3A_2 = arith.extui %sign3A_1 : i1 to i32
    %sign3A_3 = arith.constant 0 : i32
    %sign3A_4 = arith.cmpi slt, %add3A, %sign3A_3 : i32
    %sign3A_5 = arith.extui %sign3A_4 : i1 to i32
    %sign3A_6 = arith.subi %sign3A_2, %sign3A_5 : i32
    %sign3A_7 = arith.constant 0 : i32
    %sign3A_8 = arith.cmpi sgt, %jit3A, %sign3A_7 : i32
    %sign3A_9 = arith.extui %sign3A_8 : i1 to i32
    %sign3A_10 = arith.constant 0 : i32
    %sign3A_11 = arith.cmpi slt, %jit3A, %sign3A_10 : i32
    %sign3A_12 = arith.extui %sign3A_11 : i1 to i32
    %sign3A_13 = arith.subi %sign3A_9, %sign3A_12 : i32
    %ne3A = arith.cmpi ne, %sign3A_6, %sign3A_13 : i32
    %rem3A = arith.remsi %add3A, %jit3A : i32
    %ne3A_14 = arith.constant 0 : i32
    %ne3A_15 = arith.cmpi ne, %rem3A, %ne3A_14 : i32
    %and3A = arith.andi %ne3A, %ne3A_15 : i1
    %sub3A = arith.constant 1 : i32
    %sub3A_16 = arith.subi %div3A, %sub3A : i32
    %select_n3A = arith.select %and3A, %sub3A_16, %div3A : i32
    %rem3A_17 = arith.constant 8 : i32
    %rem3A_18 = arith.remsi %add3A, %rem3A_17 : i32
    %mul3A_19 = arith.constant 4096 : i32
    %mul3A_20 = arith.muli %select_n3A, %mul3A_19 : i32
    %mul3A_21 = arith.constant 512 : i32
    %mul3A_22 = arith.muli %rem3A_18, %mul3A_21 : i32
    %add3A_23 = arith.addi %mul3A_20, %mul3A_22 : i32
    %mul3A_24 = arith.constant 512 : i32
    %mul3A_25 = arith.muli %rem3A_18, %mul3A_24 : i32
    %dma_start3A = tpu.memref_slice %arg3[%mul3A_25] : memref<4096xi32, #tpu.memory_space<hbm>> -> memref<512xi32, #tpu.memory_space<hbm>>
    %dma_start3A_26 = tpu.memref_slice %arg3[%mul3A_25] : memref<4096xi32, #tpu.memory_space<hbm>> -> memref<512xi32, #tpu.memory_space<hbm>>
    tpu.enqueue_dma source(%dma_start3A_26 : memref<512xi32, #tpu.memory_space<hbm>>) target(%arg6 : memref<512xi32, #tpu.memory_space<vmem>>) target_semaphore(%arg10 : memref<!tpu.dma_semaphore, #tpu.memory_space<semaphore_mem>>)
    %add3A_27 = arith.constant 0 : i32
    %add3A_28 = arith.addi %add3A_23, %add3A_27 : i32
    %dma_start3A_29 = arith.constant 0 : i32
    %dma_start3A_30 = arith.constant 0 : i32
    %dma_start3A_31 = tpu.memref_slice %arg5[%dma_start3A_29, %dma_start3A_30] : memref<512x128xf32, #tpu.memory_space<vmem>> -> memref<128x128xf32, #tpu.memory_space<vmem>>
    %dma_start3A_32 = arith.constant 0 : i32
    %dma_start3A_33 = tpu.memref_slice %arg2[%add3A_28, %dma_start3A_32] : memref<16384x128xf32, #tpu.memory_space<hbm>> -> memref<128x128xf32, #tpu.memory_space<hbm>>
    %dma_start3A_34 = arith.constant 0 : i32
    %dma_start3A_35 = arith.constant 0 : i32
    %dma_start3A_36 = tpu.memref_slice %arg5[%dma_start3A_34, %dma_start3A_35] : memref<512x128xf32, #tpu.memory_space<vmem>> -> memref<128x128xf32, #tpu.memory_space<vmem>>
    %dma_start3A_37 = arith.constant 0 : i32
    %dma_start3A_38 = tpu.memref_slice %arg2[%add3A_28, %dma_start3A_37] : memref<16384x128xf32, #tpu.memory_space<hbm>> -> memref<128x128xf32, #tpu.memory_space<hbm>>
    tpu.enqueue_dma source(%dma_start3A_38 : memref<128x128xf32, #tpu.memory_space<hbm>>) target(%dma_start3A_36 : memref<128x128xf32, #tpu.memory_space<vmem>>) target_semaphore(%arg11 : memref<!tpu.dma_semaphore, #tpu.memory_space<semaphore_mem>>)
    %add3A_39 = arith.constant 128 : i32
    %add3A_40 = arith.addi %add3A_23, %add3A_39 : i32
    %dma_start3A_41 = arith.constant 128 : i32
    %dma_start3A_42 = arith.constant 0 : i32
    %dma_start3A_43 = tpu.memref_slice %arg5[%dma_start3A_41, %dma_start3A_42] : memref<512x128xf32, #tpu.memory_space<vmem>> -> memref<128x128xf32, #tpu.memory_space<vmem>>
    %dma_start3A_44 = arith.constant 0 : i32
    %dma_start3A_45 = tpu.memref_slice %arg2[%add3A_40, %dma_start3A_44] : memref<16384x128xf32, #tpu.memory_space<hbm>> -> memref<128x128xf32, #tpu.memory_space<hbm>>
    %dma_start3A_46 = arith.constant 128 : i32
    %dma_start3A_47 = arith.constant 0 : i32
    %dma_start3A_48 = tpu.memref_slice %arg5[%dma_start3A_46, %dma_start3A_47] : memref<512x128xf32, #tpu.memory_space<vmem>> -> memref<128x128xf32, #tpu.memory_space<vmem>>
    %dma_start3A_49 = arith.constant 0 : i32
    %dma_start3A_50 = tpu.memref_slice %arg2[%add3A_40, %dma_start3A_49] : memref<16384x128xf32, #tpu.memory_space<hbm>> -> memref<128x128xf32, #tpu.memory_space<hbm>>
    tpu.enqueue_dma source(%dma_start3A_50 : memref<128x128xf32, #tpu.memory_space<hbm>>) target(%dma_start3A_48 : memref<128x128xf32, #tpu.memory_space<vmem>>) target_semaphore(%arg12 : memref<!tpu.dma_semaphore, #tpu.memory_space<semaphore_mem>>)
    %add3A_51 = arith.constant 256 : i32
    %add3A_52 = arith.addi %add3A_23, %add3A_51 : i32
    %dma_start3A_53 = arith.constant 256 : i32
    %dma_start3A_54 = arith.constant 0 : i32
    %dma_start3A_55 = tpu.memref_slice %arg5[%dma_start3A_53, %dma_start3A_54] : memref<512x128xf32, #tpu.memory_space<vmem>> -> memref<128x128xf32, #tpu.memory_space<vmem>>
    %dma_start3A_56 = arith.constant 0 : i32
    %dma_start3A_57 = tpu.memref_slice %arg2[%add3A_52, %dma_start3A_56] : memref<16384x128xf32, #tpu.memory_space<hbm>> -> memref<128x128xf32, #tpu.memory_space<hbm>>
    %dma_start3A_58 = arith.constant 256 : i32
    %dma_start3A_59 = arith.constant 0 : i32
    %dma_start3A_60 = tpu.memref_slice %arg5[%dma_start3A_58, %dma_start3A_59] : memref<512x128xf32, #tpu.memory_space<vmem>> -> memref<128x128xf32, #tpu.memory_space<vmem>>
    %dma_start3A_61 = arith.constant 0 : i32
    %dma_start3A_62 = tpu.memref_slice %arg2[%add3A_52, %dma_start3A_61] : memref<16384x128xf32, #tpu.memory_space<hbm>> -> memref<128x128xf32, #tpu.memory_space<hbm>>
    tpu.enqueue_dma source(%dma_start3A_62 : memref<128x128xf32, #tpu.memory_space<hbm>>) target(%dma_start3A_60 : memref<128x128xf32, #tpu.memory_space<vmem>>) target_semaphore(%arg13 : memref<!tpu.dma_semaphore, #tpu.memory_space<semaphore_mem>>)
    %add3A_63 = arith.constant 384 : i32
    %add3A_64 = arith.addi %add3A_23, %add3A_63 : i32
    %dma_start3A_65 = arith.constant 384 : i32
    %dma_start3A_66 = arith.constant 0 : i32
    %dma_start3A_67 = tpu.memref_slice %arg5[%dma_start3A_65, %dma_start3A_66] : memref<512x128xf32, #tpu.memory_space<vmem>> -> memref<128x128xf32, #tpu.memory_space<vmem>>
    %dma_start3A_68 = arith.constant 0 : i32
    %dma_start3A_69 = tpu.memref_slice %arg2[%add3A_64, %dma_start3A_68] : memref<16384x128xf32, #tpu.memory_space<hbm>> -> memref<128x128xf32, #tpu.memory_space<hbm>>
    %dma_start3A_70 = arith.constant 384 : i32
    %dma_start3A_71 = arith.constant 0 : i32
    %dma_start3A_72 = tpu.memref_slice %arg5[%dma_start3A_70, %dma_start3A_71] : memref<512x128xf32, #tpu.memory_space<vmem>> -> memref<128x128xf32, #tpu.memory_space<vmem>>
    %dma_start3A_73 = arith.constant 0 : i32
    %dma_start3A_74 = tpu.memref_slice %arg2[%add3A_64, %dma_start3A_73] : memref<16384x128xf32, #tpu.memory_space<hbm>> -> memref<128x128xf32, #tpu.memory_space<hbm>>
    tpu.enqueue_dma source(%dma_start3A_74 : memref<128x128xf32, #tpu.memory_space<hbm>>) target(%dma_start3A_72 : memref<128x128xf32, #tpu.memory_space<vmem>>) target_semaphore(%arg14 : memref<!tpu.dma_semaphore, #tpu.memory_space<semaphore_mem>>)
    %broadcast_in_dim3A = arith.constant 0.000000e+00 : f32
    %broadcast_in_dim3A_75 = vector.broadcast %broadcast_in_dim3A : f32 to vector<16xf32>
    %swap3A = arith.constant 0 : i32
    %swap3A_76 = arith.index_cast %swap3A : i32 to index
    %swap3A_77 = arith.constant 0 : index
    %swap3A_78 = tpu.vector_load %arg8[%swap3A_76, %swap3A_77] {strides = array<i32>} : memref<16x128xf32, #tpu.memory_space<vmem>>, vector<1x16xf32>,
    %swap3A_79 = vector.shape_cast %swap3A_78 : vector<1x16xf32> to vector<16xf32>
    %swap3A_80 = vector.shape_cast %broadcast_in_dim3A_75 : vector<16xf32> to vector<1x16xf32>
    tpu.vector_store %arg8[%swap3A_76, %swap3A_77], %swap3A_80 {strides = array<i32>} : memref<16x128xf32, #tpu.memory_space<vmem>>, vector<1x16xf32>,
    %swap3A_81 = arith.constant 0 : i32
    %swap3A_82 = arith.index_cast %swap3A_81 : i32 to index
    %swap3A_83 = arith.constant 16 : index
    %swap3A_84 = tpu.vector_load %arg8[%swap3A_82, %swap3A_83] {strides = array<i32>} : memref<16x128xf32, #tpu.memory_space<vmem>>, vector<1x16xf32>,
    %swap3A_85 = vector.shape_cast %swap3A_84 : vector<1x16xf32> to vector<16xf32>
    %swap3A_86 = vector.shape_cast %broadcast_in_dim3A_75 : vector<16xf32> to vector<1x16xf32>
    tpu.vector_store %arg8[%swap3A_82, %swap3A_83], %swap3A_86 {strides = array<i32>} : memref<16x128xf32, #tpu.memory_space<vmem>>, vector<1x16xf32>,
    %swap3A_87 = arith.constant 0 : i32
    %swap3A_88 = arith.index_cast %swap3A_87 : i32 to index
    %swap3A_89 = arith.constant 32 : index
    %swap3A_90 = tpu.vector_load %arg8[%swap3A_88, %swap3A_89] {strides = array<i32>} : memref<16x128xf32, #tpu.memory_space<vmem>>, vector<1x16xf32>,
    %swap3A_91 = vector.shape_cast %swap3A_90 : vector<1x16xf32> to vector<16xf32>
    %swap3A_92 = vector.shape_cast %broadcast_in_dim3A_75 : vector<16xf32> to vector<1x16xf32>
    tpu.vector_store %arg8[%swap3A_88, %swap3A_89], %swap3A_92 {strides = array<i32>} : memref<16x128xf32, #tpu.memory_space<vmem>>, vector<1x16xf32>,
    %swap3A_93 = arith.constant 0 : i32
    %swap3A_94 = arith.index_cast %swap3A_93 : i32 to index
    %swap3A_95 = arith.constant 48 : index
    %swap3A_96 = tpu.vector_load %arg8[%swap3A_94, %swap3A_95] {strides = array<i32>} : memref<16x128xf32, #tpu.memory_space<vmem>>, vector<1x16xf32>,
    %swap3A_97 = vector.shape_cast %swap3A_96 : vector<1x16xf32> to vector<16xf32>
    %swap3A_98 = vector.shape_cast %broadcast_in_dim3A_75 : vector<16xf32> to vector<1x16xf32>
    tpu.vector_store %arg8[%swap3A_94, %swap3A_95], %swap3A_98 {strides = array<i32>} : memref<16x128xf32, #tpu.memory_space<vmem>>, vector<1x16xf32>,
    %swap3A_99 = arith.constant 0 : i32
    %swap3A_100 = arith.index_cast %swap3A_99 : i32 to index
    %swap3A_101 = arith.constant 64 : index
    %swap3A_102 = tpu.vector_load %arg8[%swap3A_100, %swap3A_101] {strides = array<i32>} : memref<16x128xf32, #tpu.memory_space<vmem>>, vector<1x16xf32>,
    %swap3A_103 = vector.shape_cast %swap3A_102 : vector<1x16xf32> to vector<16xf32>
    %swap3A_104 = vector.shape_cast %broadcast_in_dim3A_75 : vector<16xf32> to vector<1x16xf32>
    tpu.vector_store %arg8[%swap3A_100, %swap3A_101], %swap3A_104 {strides = array<i32>} : memref<16x128xf32, #tpu.memory_space<vmem>>, vector<1x16xf32>,
    %swap3A_105 = arith.constant 0 : i32
    %swap3A_106 = arith.index_cast %swap3A_105 : i32 to index
    %swap3A_107 = arith.constant 80 : index
    %swap3A_108 = tpu.vector_load %arg8[%swap3A_106, %swap3A_107] {strides = array<i32>} : memref<16x128xf32, #tpu.memory_space<vmem>>, vector<1x16xf32>,
    %swap3A_109 = vector.shape_cast %swap3A_108 : vector<1x16xf32> to vector<16xf32>
    %swap3A_110 = vector.shape_cast %broadcast_in_dim3A_75 : vector<16xf32> to vector<1x16xf32>
    tpu.vector_store %arg8[%swap3A_106, %swap3A_107], %swap3A_110 {strides = array<i32>} : memref<16x128xf32, #tpu.memory_space<vmem>>, vector<1x16xf32>,
    %swap3A_111 = arith.constant 0 : i32
    %swap3A_112 = arith.index_cast %swap3A_111 : i32 to index
    %swap3A_113 = arith.constant 96 : index
    %swap3A_114 = tpu.vector_load %arg8[%swap3A_112, %swap3A_113] {strides = array<i32>} : memref<16x128xf32, #tpu.memory_space<vmem>>, vector<1x16xf32>,
    %swap3A_115 = vector.shape_cast %swap3A_114 : vector<1x16xf32> to vector<16xf32>
    %swap3A_116 = vector.shape_cast %broadcast_in_dim3A_75 : vector<16xf32> to vector<1x16xf32>
    tpu.vector_store %arg8[%swap3A_112, %swap3A_113], %swap3A_116 {strides = array<i32>} : memref<16x128xf32, #tpu.memory_space<vmem>>, vector<1x16xf32>,
    %swap3A_117 = arith.constant 0 : i32
    %swap3A_118 = arith.index_cast %swap3A_117 : i32 to index
    %swap3A_119 = arith.constant 112 : index
    %swap3A_120 = tpu.vector_load %arg8[%swap3A_118, %swap3A_119] {strides = array<i32>} : memref<16x128xf32, #tpu.memory_space<vmem>>, vector<1x16xf32>,
    %swap3A_121 = vector.shape_cast %swap3A_120 : vector<1x16xf32> to vector<16xf32>
    %swap3A_122 = vector.shape_cast %broadcast_in_dim3A_75 : vector<16xf32> to vector<1x16xf32>
    tpu.vector_store %arg8[%swap3A_118, %swap3A_119], %swap3A_122 {strides = array<i32>} : memref<16x128xf32, #tpu.memory_space<vmem>>, vector<1x16xf32>,
    %swap3A_123 = arith.constant 1 : i32
    %swap3A_124 = arith.index_cast %swap3A_123 : i32 to index
    %swap3A_125 = arith.constant 0 : index
    %swap3A_126 = tpu.vector_load %arg8[%swap3A_124, %swap3A_125] {strides = array<i32>} : memref<16x128xf32, #tpu.memory_space<vmem>>, vector<1x16xf32>,
    %swap3A_127 = vector.shape_cast %swap3A_126 : vector<1x16xf32> to vector<16xf32>
    %swap3A_128 = vector.shape_cast %broadcast_in_dim3A_75 : vector<16xf32> to vector<1x16xf32>
    tpu.vector_store %arg8[%swap3A_124, %swap3A_125], %swap3A_128 {strides = array<i32>} : memref<16x128xf32, #tpu.memory_space<vmem>>, vector<1x16xf32>,
    %swap3A_129 = arith.constant 1 : i32
    %swap3A_130 = arith.index_cast %swap3A_129 : i32 to index
    %swap3A_131 = arith.constant 16 : index
    %swap3A_132 = tpu.vector_load %arg8[%swap3A_130, %swap3A_131] {strides = array<i32>} : memref<16x128xf32, #tpu.memory_space<vmem>>, vector<1x16xf32>,
    %swap3A_133 = vector.shape_cast %swap3A_132 : vector<1x16xf32> to vector<16xf32>
    %swap3A_134 = vector.shape_cast %broadcast_in_dim3A_75 : vector<16xf32> to vector<1x16xf32>
    tpu.vector_store %arg8[%swap3A_130, %swap3A_131], %swap3A_134 {strides = array<i32>} : memref<16x128xf32, #tpu.memory_space<vmem>>, vector<1x16xf32>,
    %swap3A_135 = arith.constant 1 : i32
    %swap3A_136 = arith.index_cast %swap3A_135 : i32 to index
    %swap3A_137 = arith.constant 32 : index
    %swap3A_138 = tpu.vector_load %arg8[%swap3A_136, %swap3A_137] {strides = array<i32>} : memref<16x128xf32, #tpu.memory_space<vmem>>, vector<1x16xf32>,
    %swap3A_139 = vector.shape_cast %swap3A_138 : vector<1x16xf32> to vector<16xf32>
    %swap3A_140 = vector.shape_cast %broadcast_in_dim3A_75 : vector<16xf32> to vector<1x16xf32>
    tpu.vector_store %arg8[%swap3A_136, %swap3A_137], %swap3A_140 {strides = array<i32>} : memref<16x128xf32, #tpu.memory_space<vmem>>, vector<1x16xf32>,
    %swap3A_141 = arith.constant 1 : i32
    %swap3A_142 = arith.index_cast %swap3A_141 : i32 to index
    %swap3A_143 = arith.constant 48 : index
    %swap3A_144 = tpu.vector_load %arg8[%swap3A_142, %swap3A_143] {strides = array<i32>} : memref<16x128xf32, #tpu.memory_space<vmem>>, vector<1x16xf32>,
    %swap3A_145 = vector.shape_cast %swap3A_144 : vector<1x16xf32> to vector<16xf32>
    %swap3A_146 = vector.shape_cast %broadcast_in_dim3A_75 : vector<16xf32> to vector<1x16xf32>
    tpu.vector_store %arg8[%swap3A_142, %swap3A_143], %swap3A_146 {strides = array<i32>} : memref<16x128xf32, #tpu.memory_space<vmem>>, vector<1x16xf32>,
    %swap3A_147 = arith.constant 1 : i32
    %swap3A_148 = arith.index_cast %swap3A_147 : i32 to index
    %swap3A_149 = arith.constant 64 : index
    %swap3A_150 = tpu.vector_load %arg8[%swap3A_148, %swap3A_149] {strides = array<i32>} : memref<16x128xf32, #tpu.memory_space<vmem>>, vector<1x16xf32>,
    %swap3A_151 = vector.shape_cast %swap3A_150 : vector<1x16xf32> to vector<16xf32>
    %swap3A_152 = vector.shape_cast %broadcast_in_dim3A_75 : vector<16xf32> to vector<1x16xf32>
    tpu.vector_store %arg8[%swap3A_148, %swap3A_149], %swap3A_152 {strides = array<i32>} : memref<16x128xf32, #tpu.memory_space<vmem>>, vector<1x16xf32>,
    %swap3A_153 = arith.constant 1 : i32
    %swap3A_154 = arith.index_cast %swap3A_153 : i32 to index
    %swap3A_155 = arith.constant 80 : index
    %swap3A_156 = tpu.vector_load %arg8[%swap3A_154, %swap3A_155] {strides = array<i32>} : memref<16x128xf32, #tpu.memory_space<vmem>>, vector<1x16xf32>,
    %swap3A_157 = vector.shape_cast %swap3A_156 : vector<1x16xf32> to vector<16xf32>
    %swap3A_158 = vector.shape_cast %broadcast_in_dim3A_75 : vector<16xf32> to vector<1x16xf32>
    tpu.vector_store %arg8[%swap3A_154, %swap3A_155], %swap3A_158 {strides = array<i32>} : memref<16x128xf32, #tpu.memory_space<vmem>>, vector<1x16xf32>,
    %swap3A_159 = arith.constant 1 : i32
    %swap3A_160 = arith.index_cast %swap3A_159 : i32 to index
    %swap3A_161 = arith.constant 96 : index
    %swap3A_162 = tpu.vector_load %arg8[%swap3A_160, %swap3A_161] {strides = array<i32>} : memref<16x128xf32, #tpu.memory_space<vmem>>, vector<1x16xf32>,
    %swap3A_163 = vector.shape_cast %swap3A_162 : vector<1x16xf32> to vector<16xf32>
    %swap3A_164 = vector.shape_cast %broadcast_in_dim3A_75 : vector<16xf32> to vector<1x16xf32>
    tpu.vector_store %arg8[%swap3A_160, %swap3A_161], %swap3A_164 {strides = array<i32>} : memref<16x128xf32, #tpu.memory_space<vmem>>, vector<1x16xf32>,
    %swap3A_165 = arith.constant 1 : i32
    %swap3A_166 = arith.index_cast %swap3A_165 : i32 to index
    %swap3A_167 = arith.constant 112 : index
    %swap3A_168 = tpu.vector_load %arg8[%swap3A_166, %swap3A_167] {strides = array<i32>} : memref<16x128xf32, #tpu.memory_space<vmem>>, vector<1x16xf32>,
    %swap3A_169 = vector.shape_cast %swap3A_168 : vector<1x16xf32> to vector<16xf32>
    %swap3A_170 = vector.shape_cast %broadcast_in_dim3A_75 : vector<16xf32> to vector<1x16xf32>
    tpu.vector_store %arg8[%swap3A_166, %swap3A_167], %swap3A_170 {strides = array<i32>} : memref<16x128xf32, #tpu.memory_space<vmem>>, vector<1x16xf32>,
    %swap3A_171 = arith.constant 2 : i32
    %swap3A_172 = arith.index_cast %swap3A_171 : i32 to index
    %swap3A_173 = arith.constant 0 : index
    %swap3A_174 = tpu.vector_load %arg8[%swap3A_172, %swap3A_173] {strides = array<i32>} : memref<16x128xf32, #tpu.memory_space<vmem>>, vector<1x16xf32>,
    %swap3A_175 = vector.shape_cast %swap3A_174 : vector<1x16xf32> to vector<16xf32>
    %swap3A_176 = vector.shape_cast %broadcast_in_dim3A_75 : vector<16xf32> to vector<1x16xf32>
    tpu.vector_store %arg8[%swap3A_172, %swap3A_173], %swap3A_176 {strides = array<i32>} : memref<16x128xf32, #tpu.memory_space<vmem>>, vector<1x16xf32>,
    %swap3A_177 = arith.constant 2 : i32
    %swap3A_178 = arith.index_cast %swap3A_177 : i32 to index
    %swap3A_179 = arith.constant 16 : index
    %swap3A_180 = tpu.vector_load %arg8[%swap3A_178, %swap3A_179] {strides = array<i32>} : memref<16x128xf32, #tpu.memory_space<vmem>>, vector<1x16xf32>,
    %swap3A_181 = vector.shape_cast %swap3A_180 : vector<1x16xf32> to vector<16xf32>
    %swap3A_182 = vector.shape_cast %broadcast_in_dim3A_75 : vector<16xf32> to vector<1x16xf32>
    tpu.vector_store %arg8[%swap3A_178, %swap3A_179], %swap3A_182 {strides = array<i32>} : memref<16x128xf32, #tpu.memory_space<vmem>>, vector<1x16xf32>,
    %swap3A_183 = arith.constant 2 : i32
    %swap3A_184 = arith.index_cast %swap3A_183 : i32 to index
    %swap3A_185 = arith.constant 32 : index
    %swap3A_186 = tpu.vector_load %arg8[%swap3A_184, %swap3A_185] {strides = array<i32>} : memref<16x128xf32, #tpu.memory_space<vmem>>, vector<1x16xf32>,
    %swap3A_187 = vector.shape_cast %swap3A_186 : vector<1x16xf32> to vector<16xf32>
    %swap3A_188 = vector.shape_cast %broadcast_in_dim3A_75 : vector<16xf32> to vector<1x16xf32>
    tpu.vector_store %arg8[%swap3A_184, %swap3A_185], %swap3A_188 {strides = array<i32>} : memref<16x128xf32, #tpu.memory_space<vmem>>, vector<1x16xf32>,
    %swap3A_189 = arith.constant 2 : i32
    %swap3A_190 = arith.index_cast %swap3A_189 : i32 to index
    %swap3A_191 = arith.constant 48 : index
    %swap3A_192 = tpu.vector_load %arg8[%swap3A_190, %swap3A_191] {strides = array<i32>} : memref<16x128xf32, #tpu.memory_space<vmem>>, vector<1x16xf32>,
    %swap3A_193 = vector.shape_cast %swap3A_192 : vector<1x16xf32> to vector<16xf32>
    %swap3A_194 = vector.shape_cast %broadcast_in_dim3A_75 : vector<16xf32> to vector<1x16xf32>
    tpu.vector_store %arg8[%swap3A_190, %swap3A_191], %swap3A_194 {strides = array<i32>} : memref<16x128xf32, #tpu.memory_space<vmem>>, vector<1x16xf32>,
    %swap3A_195 = arith.constant 2 : i32
    %swap3A_196 = arith.index_cast %swap3A_195 : i32 to index
    %swap3A_197 = arith.constant 64 : index
    %swap3A_198 = tpu.vector_load %arg8[%swap3A_196, %swap3A_197] {strides = array<i32>} : memref<16x128xf32, #tpu.memory_space<vmem>>, vector<1x16xf32>,
    %swap3A_199 = vector.shape_cast %swap3A_198 : vector<1x16xf32> to vector<16xf32>
    %swap3A_200 = vector.shape_cast %broadcast_in_dim3A_75 : vector<16xf32> to vector<1x16xf32>
    tpu.vector_store %arg8[%swap3A_196, %swap3A_197], %swap3A_200 {strides = array<i32>} : memref<16x128xf32, #tpu.memory_space<vmem>>, vector<1x16xf32>,
    %swap3A_201 = arith.constant 2 : i32
    %swap3A_202 = arith.index_cast %swap3A_201 : i32 to index
    %swap3A_203 = arith.constant 80 : index
    %swap3A_204 = tpu.vector_load %arg8[%swap3A_202, %swap3A_203] {strides = array<i32>} : memref<16x128xf32, #tpu.memory_space<vmem>>, vector<1x16xf32>,
    %swap3A_205 = vector.shape_cast %swap3A_204 : vector<1x16xf32> to vector<16xf32>
    %swap3A_206 = vector.shape_cast %broadcast_in_dim3A_75 : vector<16xf32> to vector<1x16xf32>
    tpu.vector_store %arg8[%swap3A_202, %swap3A_203], %swap3A_206 {strides = array<i32>} : memref<16x128xf32, #tpu.memory_space<vmem>>, vector<1x16xf32>,
    %swap3A_207 = arith.constant 2 : i32
    %swap3A_208 = arith.index_cast %swap3A_207 : i32 to index
    %swap3A_209 = arith.constant 96 : index
    %swap3A_210 = tpu.vector_load %arg8[%swap3A_208, %swap3A_209] {strides = array<i32>} : memref<16x128xf32, #tpu.memory_space<vmem>>, vector<1x16xf32>,
    %swap3A_211 = vector.shape_cast %swap3A_210 : vector<1x16xf32> to vector<16xf32>
    %swap3A_212 = vector.shape_cast %broadcast_in_dim3A_75 : vector<16xf32> to vector<1x16xf32>
    tpu.vector_store %arg8[%swap3A_208, %swap3A_209], %swap3A_212 {strides = array<i32>} : memref<16x128xf32, #tpu.memory_space<vmem>>, vector<1x16xf32>,
    %swap3A_213 = arith.constant 2 : i32
    %swap3A_214 = arith.index_cast %swap3A_213 : i32 to index
    %swap3A_215 = arith.constant 112 : index
    %swap3A_216 = tpu.vector_load %arg8[%swap3A_214, %swap3A_215] {strides = array<i32>} : memref<16x128xf32, #tpu.memory_space<vmem>>, vector<1x16xf32>,
    %swap3A_217 = vector.shape_cast %swap3A_216 : vector<1x16xf32> to vector<16xf32>
    %swap3A_218 = vector.shape_cast %broadcast_in_dim3A_75 : vector<16xf32> to vector<1x16xf32>
    tpu.vector_store %arg8[%swap3A_214, %swap3A_215], %swap3A_218 {strides = array<i32>} : memref<16x128xf32, #tpu.memory_space<vmem>>, vector<1x16xf32>,
    %swap3A_219 = arith.constant 3 : i32
    %swap3A_220 = arith.index_cast %swap3A_219 : i32 to index
    %swap3A_221 = arith.constant 0 : index
    %swap3A_222 = tpu.vector_load %arg8[%swap3A_220, %swap3A_221] {strides = array<i32>} : memref<16x128xf32, #tpu.memory_space<vmem>>, vector<1x16xf32>,
    %swap3A_223 = vector.shape_cast %swap3A_222 : vector<1x16xf32> to vector<16xf32>
    %swap3A_224 = vector.shape_cast %broadcast_in_dim3A_75 : vector<16xf32> to vector<1x16xf32>
    tpu.vector_store %arg8[%swap3A_220, %swap3A_221], %swap3A_224 {strides = array<i32>} : memref<16x128xf32, #tpu.memory_space<vmem>>, vector<1x16xf32>,
    %swap3A_225 = arith.constant 3 : i32
    %swap3A_226 = arith.index_cast %swap3A_225 : i32 to index
    %swap3A_227 = arith.constant 16 : index
    %swap3A_228 = tpu.vector_load %arg8[%swap3A_226, %swap3A_227] {strides = array<i32>} : memref<16x128xf32, #tpu.memory_space<vmem>>, vector<1x16xf32>,
    %swap3A_229 = vector.shape_cast %swap3A_228 : vector<1x16xf32> to vector<16xf32>
    %swap3A_230 = vector.shape_cast %broadcast_in_dim3A_75 : vector<16xf32> to vector<1x16xf32>
    tpu.vector_store %arg8[%swap3A_226, %swap3A_227], %swap3A_230 {strides = array<i32>} : memref<16x128xf32, #tpu.memory_space<vmem>>, vector<1x16xf32>,
    %swap3A_231 = arith.constant 3 : i32
    %swap3A_232 = arith.index_cast %swap3A_231 : i32 to index
    %swap3A_233 = arith.constant 32 : index
    %swap3A_234 = tpu.vector_load %arg8[%swap3A_232, %swap3A_233] {strides = array<i32>} : memref<16x128xf32, #tpu.memory_space<vmem>>, vector<1x16xf32>,
    %swap3A_235 = vector.shape_cast %swap3A_234 : vector<1x16xf32> to vector<16xf32>
    %swap3A_236 = vector.shape_cast %broadcast_in_dim3A_75 : vector<16xf32> to vector<1x16xf32>
    tpu.vector_store %arg8[%swap3A_232, %swap3A_233], %swap3A_236 {strides = array<i32>} : memref<16x128xf32, #tpu.memory_space<vmem>>, vector<1x16xf32>,
    %swap3A_237 = arith.constant 3 : i32
    %swap3A_238 = arith.index_cast %swap3A_237 : i32 to index
    %swap3A_239 = arith.constant 48 : index
    %swap3A_240 = tpu.vector_load %arg8[%swap3A_238, %swap3A_239] {strides = array<i32>} : memref<16x128xf32, #tpu.memory_space<vmem>>, vector<1x16xf32>,
    %swap3A_241 = vector.shape_cast %swap3A_240 : vector<1x16xf32> to vector<16xf32>
    %swap3A_242 = vector.shape_cast %broadcast_in_dim3A_75 : vector<16xf32> to vector<1x16xf32>
    tpu.vector_store %arg8[%swap3A_238, %swap3A_239], %swap3A_242 {strides = array<i32>} : memref<16x128xf32, #tpu.memory_space<vmem>>, vector<1x16xf32>,
    %swap3A_243 = arith.constant 3 : i32
    %swap3A_244 = arith.index_cast %swap3A_243 : i32 to index
    %swap3A_245 = arith.constant 64 : index
    %swap3A_246 = tpu.vector_load %arg8[%swap3A_244, %swap3A_245] {strides = array<i32>} : memref<16x128xf32, #tpu.memory_space<vmem>>, vector<1x16xf32>,
    %swap3A_247 = vector.shape_cast %swap3A_246 : vector<1x16xf32> to vector<16xf32>
    %swap3A_248 = vector.shape_cast %broadcast_in_dim3A_75 : vector<16xf32> to vector<1x16xf32>
    tpu.vector_store %arg8[%swap3A_244, %swap3A_245], %swap3A_248 {strides = array<i32>} : memref<16x128xf32, #tpu.memory_space<vmem>>, vector<1x16xf32>,
    %swap3A_249 = arith.constant 3 : i32
    %swap3A_250 = arith.index_cast %swap3A_249 : i32 to index
    %swap3A_251 = arith.constant 80 : index
    %swap3A_252 = tpu.vector_load %arg8[%swap3A_250, %swap3A_251] {strides = array<i32>} : memref<16x128xf32, #tpu.memory_space<vmem>>, vector<1x16xf32>,
    %swap3A_253 = vector.shape_cast %swap3A_252 : vector<1x16xf32> to vector<16xf32>
    %swap3A_254 = vector.shape_cast %broadcast_in_dim3A_75 : vector<16xf32> to vector<1x16xf32>
    tpu.vector_store %arg8[%swap3A_250, %swap3A_251], %swap3A_254 {strides = array<i32>} : memref<16x128xf32, #tpu.memory_space<vmem>>, vector<1x16xf32>,
    %swap3A_255 = arith.constant 3 : i32
    %swap3A_256 = arith.index_cast %swap3A_255 : i32 to index
    %swap3A_257 = arith.constant 96 : index
    %swap3A_258 = tpu.vector_load %arg8[%swap3A_256, %swap3A_257] {strides = array<i32>} : memref<16x128xf32, #tpu.memory_space<vmem>>, vector<1x16xf32>,
    %swap3A_259 = vector.shape_cast %swap3A_258 : vector<1x16xf32> to vector<16xf32>
    %swap3A_260 = vector.shape_cast %broadcast_in_dim3A_75 : vector<16xf32> to vector<1x16xf32>
    tpu.vector_store %arg8[%swap3A_256, %swap3A_257], %swap3A_260 {strides = array<i32>} : memref<16x128xf32, #tpu.memory_space<vmem>>, vector<1x16xf32>,
    %swap3A_261 = arith.constant 3 : i32
    %swap3A_262 = arith.index_cast %swap3A_261 : i32 to index
    %swap3A_263 = arith.constant 112 : index
    %swap3A_264 = tpu.vector_load %arg8[%swap3A_262, %swap3A_263] {strides = array<i32>} : memref<16x128xf32, #tpu.memory_space<vmem>>, vector<1x16xf32>,
    %swap3A_265 = vector.shape_cast %swap3A_264 : vector<1x16xf32> to vector<16xf32>
    %swap3A_266 = vector.shape_cast %broadcast_in_dim3A_75 : vector<16xf32> to vector<1x16xf32>
    tpu.vector_store %arg8[%swap3A_262, %swap3A_263], %swap3A_266 {strides = array<i32>} : memref<16x128xf32, #tpu.memory_space<vmem>>, vector<1x16xf32>,
    %swap3A_267 = arith.constant 4 : i32
    %swap3A_268 = arith.index_cast %swap3A_267 : i32 to index
    %swap3A_269 = arith.constant 0 : index
    %swap3A_270 = tpu.vector_load %arg8[%swap3A_268, %swap3A_269] {strides = array<i32>} : memref<16x128xf32, #tpu.memory_space<vmem>>, vector<1x16xf32>,
    %swap3A_271 = vector.shape_cast %swap3A_270 : vector<1x16xf32> to vector<16xf32>
    %swap3A_272 = vector.shape_cast %broadcast_in_dim3A_75 : vector<16xf32> to vector<1x16xf32>
    tpu.vector_store %arg8[%swap3A_268, %swap3A_269], %swap3A_272 {strides = array<i32>} : memref<16x128xf32, #tpu.memory_space<vmem>>, vector<1x16xf32>,
    %swap3A_273 = arith.constant 4 : i32
    %swap3A_274 = arith.index_cast %swap3A_273 : i32 to index
    %swap3A_275 = arith.constant 16 : index
    %swap3A_276 = tpu.vector_load %arg8[%swap3A_274, %swap3A_275] {strides = array<i32>} : memref<16x128xf32, #tpu.memory_space<vmem>>, vector<1x16xf32>,
    %swap3A_277 = vector.shape_cast %swap3A_276 : vector<1x16xf32> to vector<16xf32>
    %swap3A_278 = vector.shape_cast %broadcast_in_dim3A_75 : vector<16xf32> to vector<1x16xf32>
    tpu.vector_store %arg8[%swap3A_274, %swap3A_275], %swap3A_278 {strides = array<i32>} : memref<16x128xf32, #tpu.memory_space<vmem>>, vector<1x16xf32>,
    %swap3A_279 = arith.constant 4 : i32
    %swap3A_280 = arith.index_cast %swap3A_279 : i32 to index
    %swap3A_281 = arith.constant 32 : index
    %swap3A_282 = tpu.vector_load %arg8[%swap3A_280, %swap3A_281] {strides = array<i32>} : memref<16x128xf32, #tpu.memory_space<vmem>>, vector<1x16xf32>,
    %swap3A_283 = vector.shape_cast %swap3A_282 : vector<1x16xf32> to vector<16xf32>
    %swap3A_284 = vector.shape_cast %broadcast_in_dim3A_75 : vector<16xf32> to vector<1x16xf32>
    tpu.vector_store %arg8[%swap3A_280, %swap3A_281], %swap3A_284 {strides = array<i32>} : memref<16x128xf32, #tpu.memory_space<vmem>>, vector<1x16xf32>,
    %swap3A_285 = arith.constant 4 : i32
    %swap3A_286 = arith.index_cast %swap3A_285 : i32 to index
    %swap3A_287 = arith.constant 48 : index
    %swap3A_288 = tpu.vector_load %arg8[%swap3A_286, %swap3A_287] {strides = array<i32>} : memref<16x128xf32, #tpu.memory_space<vmem>>, vector<1x16xf32>,
    %swap3A_289 = vector.shape_cast %swap3A_288 : vector<1x16xf32> to vector<16xf32>
    %swap3A_290 = vector.shape_cast %broadcast_in_dim3A_75 : vector<16xf32> to vector<1x16xf32>
    tpu.vector_store %arg8[%swap3A_286, %swap3A_287], %swap3A_290 {strides = array<i32>} : memref<16x128xf32, #tpu.memory_space<vmem>>, vector<1x16xf32>,
    %swap3A_291 = arith.constant 4 : i32
    %swap3A_292 = arith.index_cast %swap3A_291 : i32 to index
    %swap3A_293 = arith.constant 64 : index
    %swap3A_294 = tpu.vector_load %arg8[%swap3A_292, %swap3A_293] {strides = array<i32>} : memref<16x128xf32, #tpu.memory_space<vmem>>, vector<1x16xf32>,
    %swap3A_295 = vector.shape_cast %swap3A_294 : vector<1x16xf32> to vector<16xf32>
    %swap3A_296 = vector.shape_cast %broadcast_in_dim3A_75 : vector<16xf32> to vector<1x16xf32>
    tpu.vector_store %arg8[%swap3A_292, %swap3A_293], %swap3A_296 {strides = array<i32>} : memref<16x128xf32, #tpu.memory_space<vmem>>, vector<1x16xf32>,
    %swap3A_297 = arith.constant 4 : i32
    %swap3A_298 = arith.index_cast %swap3A_297 : i32 to index
    %swap3A_299 = arith.constant 80 : index
    %swap3A_300 = tpu.vector_load %arg8[%swap3A_298, %swap3A_299] {strides = array<i32>} : memref<16x128xf32, #tpu.memory_space<vmem>>, vector<1x16xf32>,
    %swap3A_301 = vector.shape_cast %swap3A_300 : vector<1x16xf32> to vector<16xf32>
    %swap3A_302 = vector.shape_cast %broadcast_in_dim3A_75 : vector<16xf32> to vector<1x16xf32>
    tpu.vector_store %arg8[%swap3A_298, %swap3A_299], %swap3A_302 {strides = array<i32>} : memref<16x128xf32, #tpu.memory_space<vmem>>, vector<1x16xf32>,
    %swap3A_303 = arith.constant 4 : i32
    %swap3A_304 = arith.index_cast %swap3A_303 : i32 to index
    %swap3A_305 = arith.constant 96 : index
    %swap3A_306 = tpu.vector_load %arg8[%swap3A_304, %swap3A_305] {strides = array<i32>} : memref<16x128xf32, #tpu.memory_space<vmem>>, vector<1x16xf32>,
    %swap3A_307 = vector.shape_cast %swap3A_306 : vector<1x16xf32> to vector<16xf32>
    %swap3A_308 = vector.shape_cast %broadcast_in_dim3A_75 : vector<16xf32> to vector<1x16xf32>
    tpu.vector_store %arg8[%swap3A_304, %swap3A_305], %swap3A_308 {strides = array<i32>} : memref<16x128xf32, #tpu.memory_space<vmem>>, vector<1x16xf32>,
    %swap3A_309 = arith.constant 4 : i32
    %swap3A_310 = arith.index_cast %swap3A_309 : i32 to index
    %swap3A_311 = arith.constant 112 : index
    %swap3A_312 = tpu.vector_load %arg8[%swap3A_310, %swap3A_311] {strides = array<i32>} : memref<16x128xf32, #tpu.memory_space<vmem>>, vector<1x16xf32>,
    %swap3A_313 = vector.shape_cast %swap3A_312 : vector<1x16xf32> to vector<16xf32>
    %swap3A_314 = vector.shape_cast %broadcast_in_dim3A_75 : vector<16xf32> to vector<1x16xf32>
    tpu.vector_store %arg8[%swap3A_310, %swap3A_311], %swap3A_314 {strides = array<i32>} : memref<16x128xf32, #tpu.memory_space<vmem>>, vector<1x16xf32>,
    %swap3A_315 = arith.constant 5 : i32
    %swap3A_316 = arith.index_cast %swap3A_315 : i32 to index
    %swap3A_317 = arith.constant 0 : index
    %swap3A_318 = tpu.vector_load %arg8[%swap3A_316, %swap3A_317] {strides = array<i32>} : memref<16x128xf32, #tpu.memory_space<vmem>>, vector<1x16xf32>,
    %swap3A_319 = vector.shape_cast %swap3A_318 : vector<1x16xf32> to vector<16xf32>
    %swap3A_320 = vector.shape_cast %broadcast_in_dim3A_75 : vector<16xf32> to vector<1x16xf32>
    tpu.vector_store %arg8[%swap3A_316, %swap3A_317], %swap3A_320 {strides = array<i32>} : memref<16x128xf32, #tpu.memory_space<vmem>>, vector<1x16xf32>,
    %swap3A_321 = arith.constant 5 : i32
    %swap3A_322 = arith.index_cast %swap3A_321 : i32 to index
    %swap3A_323 = arith.constant 16 : index
    %swap3A_324 = tpu.vector_load %arg8[%swap3A_322, %swap3A_323] {strides = array<i32>} : memref<16x128xf32, #tpu.memory_space<vmem>>, vector<1x16xf32>,
    %swap3A_325 = vector.shape_cast %swap3A_324 : vector<1x16xf32> to vector<16xf32>
    %swap3A_326 = vector.shape_cast %broadcast_in_dim3A_75 : vector<16xf32> to vector<1x16xf32>
    tpu.vector_store %arg8[%swap3A_322, %swap3A_323], %swap3A_326 {strides = array<i32>} : memref<16x128xf32, #tpu.memory_space<vmem>>, vector<1x16xf32>,
    %swap3A_327 = arith.constant 5 : i32
    %swap3A_328 = arith.index_cast %swap3A_327 : i32 to index
    %swap3A_329 = arith.constant 32 : index
    %swap3A_330 = tpu.vector_load %arg8[%swap3A_328, %swap3A_329] {strides = array<i32>} : memref<16x128xf32, #tpu.memory_space<vmem>>, vector<1x16xf32>,
    %swap3A_331 = vector.shape_cast %swap3A_330 : vector<1x16xf32> to vector<16xf32>
    %swap3A_332 = vector.shape_cast %broadcast_in_dim3A_75 : vector<16xf32> to vector<1x16xf32>
    tpu.vector_store %arg8[%swap3A_328, %swap3A_329], %swap3A_332 {strides = array<i32>} : memref<16x128xf32, #tpu.memory_space<vmem>>, vector<1x16xf32>,
    %swap3A_333 = arith.constant 5 : i32
    %swap3A_334 = arith.index_cast %swap3A_333 : i32 to index
    %swap3A_335 = arith.constant 48 : index
    %swap3A_336 = tpu.vector_load %arg8[%swap3A_334, %swap3A_335] {strides = array<i32>} : memref<16x128xf32, #tpu.memory_space<vmem>>, vector<1x16xf32>,
    %swap3A_337 = vector.shape_cast %swap3A_336 : vector<1x16xf32> to vector<16xf32>
    %swap3A_338 = vector.shape_cast %broadcast_in_dim3A_75 : vector<16xf32> to vector<1x16xf32>
    tpu.vector_store %arg8[%swap3A_334, %swap3A_335], %swap3A_338 {strides = array<i32>} : memref<16x128xf32, #tpu.memory_space<vmem>>, vector<1x16xf32>,
    %swap3A_339 = arith.constant 5 : i32
    %swap3A_340 = arith.index_cast %swap3A_339 : i32 to index
    %swap3A_341 = arith.constant 64 : index
    %swap3A_342 = tpu.vector_load %arg8[%swap3A_340, %swap3A_341] {strides = array<i32>} : memref<16x128xf32, #tpu.memory_space<vmem>>, vector<1x16xf32>,
    %swap3A_343 = vector.shape_cast %swap3A_342 : vector<1x16xf32> to vector<16xf32>
    %swap3A_344 = vector.shape_cast %broadcast_in_dim3A_75 : vector<16xf32> to vector<1x16xf32>
    tpu.vector_store %arg8[%swap3A_340, %swap3A_341], %swap3A_344 {strides = array<i32>} : memref<16x128xf32, #tpu.memory_space<vmem>>, vector<1x16xf32>,
    %swap3A_345 = arith.constant 5 : i32
    %swap3A_346 = arith.index_cast %swap3A_345 : i32 to index
    %swap3A_347 = arith.constant 80 : index
    %swap3A_348 = tpu.vector_load %arg8[%swap3A_346, %swap3A_347] {strides = array<i32>} : memref<16x128xf32, #tpu.memory_space<vmem>>, vector<1x16xf32>,
    %swap3A_349 = vector.shape_cast %swap3A_348 : vector<1x16xf32> to vector<16xf32>
    %swap3A_350 = vector.shape_cast %broadcast_in_dim3A_75 : vector<16xf32> to vector<1x16xf32>
    tpu.vector_store %arg8[%swap3A_346, %swap3A_347], %swap3A_350 {strides = array<i32>} : memref<16x128xf32, #tpu.memory_space<vmem>>, vector<1x16xf32>,
    %swap3A_351 = arith.constant 5 : i32
    %swap3A_352 = arith.index_cast %swap3A_351 : i32 to index
    %swap3A_353 = arith.constant 96 : index
    %swap3A_354 = tpu.vector_load %arg8[%swap3A_352, %swap3A_353] {strides = array<i32>} : memref<16x128xf32, #tpu.memory_space<vmem>>, vector<1x16xf32>,
    %swap3A_355 = vector.shape_cast %swap3A_354 : vector<1x16xf32> to vector<16xf32>
    %swap3A_356 = vector.shape_cast %broadcast_in_dim3A_75 : vector<16xf32> to vector<1x16xf32>
    tpu.vector_store %arg8[%swap3A_352, %swap3A_353], %swap3A_356 {strides = array<i32>} : memref<16x128xf32, #tpu.memory_space<vmem>>, vector<1x16xf32>,
    %swap3A_357 = arith.constant 5 : i32
    %swap3A_358 = arith.index_cast %swap3A_357 : i32 to index
    %swap3A_359 = arith.constant 112 : index
    %swap3A_360 = tpu.vector_load %arg8[%swap3A_358, %swap3A_359] {strides = array<i32>} : memref<16x128xf32, #tpu.memory_space<vmem>>, vector<1x16xf32>,
    %swap3A_361 = vector.shape_cast %swap3A_360 : vector<1x16xf32> to vector<16xf32>
    %swap3A_362 = vector.shape_cast %broadcast_in_dim3A_75 : vector<16xf32> to vector<1x16xf32>
    tpu.vector_store %arg8[%swap3A_358, %swap3A_359], %swap3A_362 {strides = array<i32>} : memref<16x128xf32, #tpu.memory_space<vmem>>, vector<1x16xf32>,
    %swap3A_363 = arith.constant 6 : i32
    %swap3A_364 = arith.index_cast %swap3A_363 : i32 to index
    %swap3A_365 = arith.constant 0 : index
    %swap3A_366 = tpu.vector_load %arg8[%swap3A_364, %swap3A_365] {strides = array<i32>} : memref<16x128xf32, #tpu.memory_space<vmem>>, vector<1x16xf32>,
    %swap3A_367 = vector.shape_cast %swap3A_366 : vector<1x16xf32> to vector<16xf32>
    %swap3A_368 = vector.shape_cast %broadcast_in_dim3A_75 : vector<16xf32> to vector<1x16xf32>
    tpu.vector_store %arg8[%swap3A_364, %swap3A_365], %swap3A_368 {strides = array<i32>} : memref<16x128xf32, #tpu.memory_space<vmem>>, vector<1x16xf32>,
    %swap3A_369 = arith.constant 6 : i32
    %swap3A_370 = arith.index_cast %swap3A_369 : i32 to index
    %swap3A_371 = arith.constant 16 : index
    %swap3A_372 = tpu.vector_load %arg8[%swap3A_370, %swap3A_371] {strides = array<i32>} : memref<16x128xf32, #tpu.memory_space<vmem>>, vector<1x16xf32>,
    %swap3A_373 = vector.shape_cast %swap3A_372 : vector<1x16xf32> to vector<16xf32>
    %swap3A_374 = vector.shape_cast %broadcast_in_dim3A_75 : vector<16xf32> to vector<1x16xf32>
    tpu.vector_store %arg8[%swap3A_370, %swap3A_371], %swap3A_374 {strides = array<i32>} : memref<16x128xf32, #tpu.memory_space<vmem>>, vector<1x16xf32>,
    %swap3A_375 = arith.constant 6 : i32
    %swap3A_376 = arith.index_cast %swap3A_375 : i32 to index
    %swap3A_377 = arith.constant 32 : index
    %swap3A_378 = tpu.vector_load %arg8[%swap3A_376, %swap3A_377] {strides = array<i32>} : memref<16x128xf32, #tpu.memory_space<vmem>>, vector<1x16xf32>,
    %swap3A_379 = vector.shape_cast %swap3A_378 : vector<1x16xf32> to vector<16xf32>
    %swap3A_380 = vector.shape_cast %broadcast_in_dim3A_75 : vector<16xf32> to vector<1x16xf32>
    tpu.vector_store %arg8[%swap3A_376, %swap3A_377], %swap3A_380 {strides = array<i32>} : memref<16x128xf32, #tpu.memory_space<vmem>>, vector<1x16xf32>,
    %swap3A_381 = arith.constant 6 : i32
    %swap3A_382 = arith.index_cast %swap3A_381 : i32 to index
    %swap3A_383 = arith.constant 48 : index
    %swap3A_384 = tpu.vector_load %arg8[%swap3A_382, %swap3A_383] {strides = array<i32>} : memref<16x128xf32, #tpu.memory_space<vmem>>, vector<1x16xf32>,
    %swap3A_385 = vector.shape_cast %swap3A_384 : vector<1x16xf32> to vector<16xf32>
    %swap3A_386 = vector.shape_cast %broadcast_in_dim3A_75 : vector<16xf32> to vector<1x16xf32>
    tpu.vector_store %arg8[%swap3A_382, %swap3A_383], %swap3A_386 {strides = array<i32>} : memref<16x128xf32, #tpu.memory_space<vmem>>, vector<1x16xf32>,
    %swap3A_387 = arith.constant 6 : i32
    %swap3A_388 = arith.index_cast %swap3A_387 : i32 to index
    %swap3A_389 = arith.constant 64 : index
    %swap3A_390 = tpu.vector_load %arg8[%swap3A_388, %swap3A_389] {strides = array<i32>} : memref<16x128xf32, #tpu.memory_space<vmem>>, vector<1x16xf32>,
    %swap3A_391 = vector.shape_cast %swap3A_390 : vector<1x16xf32> to vector<16xf32>
    %swap3A_392 = vector.shape_cast %broadcast_in_dim3A_75 : vector<16xf32> to vector<1x16xf32>
    tpu.vector_store %arg8[%swap3A_388, %swap3A_389], %swap3A_392 {strides = array<i32>} : memref<16x128xf32, #tpu.memory_space<vmem>>, vector<1x16xf32>,
    %swap3A_393 = arith.constant 6 : i32
    %swap3A_394 = arith.index_cast %swap3A_393 : i32 to index
    %swap3A_395 = arith.constant 80 : index
    %swap3A_396 = tpu.vector_load %arg8[%swap3A_394, %swap3A_395] {strides = array<i32>} : memref<16x128xf32, #tpu.memory_space<vmem>>, vector<1x16xf32>,
    %swap3A_397 = vector.shape_cast %swap3A_396 : vector<1x16xf32> to vector<16xf32>
    %swap3A_398 = vector.shape_cast %broadcast_in_dim3A_75 : vector<16xf32> to vector<1x16xf32>
    tpu.vector_store %arg8[%swap3A_394, %swap3A_395], %swap3A_398 {strides = array<i32>} : memref<16x128xf32, #tpu.memory_space<vmem>>, vector<1x16xf32>,
    %swap3A_399 = arith.constant 6 : i32
    %swap3A_400 = arith.index_cast %swap3A_399 : i32 to index
    %swap3A_401 = arith.constant 96 : index
    %swap3A_402 = tpu.vector_load %arg8[%swap3A_400, %swap3A_401] {strides = array<i32>} : memref<16x128xf32, #tpu.memory_space<vmem>>, vector<1x16xf32>,
    %swap3A_403 = vector.shape_cast %swap3A_402 : vector<1x16xf32> to vector<16xf32>
    %swap3A_404 = vector.shape_cast %broadcast_in_dim3A_75 : vector<16xf32> to vector<1x16xf32>
    tpu.vector_store %arg8[%swap3A_400, %swap3A_401], %swap3A_404 {strides = array<i32>} : memref<16x128xf32, #tpu.memory_space<vmem>>, vector<1x16xf32>,
    %swap3A_405 = arith.constant 6 : i32
    %swap3A_406 = arith.index_cast %swap3A_405 : i32 to index
    %swap3A_407 = arith.constant 112 : index
    %swap3A_408 = tpu.vector_load %arg8[%swap3A_406, %swap3A_407] {strides = array<i32>} : memref<16x128xf32, #tpu.memory_space<vmem>>, vector<1x16xf32>,
    %swap3A_409 = vector.shape_cast %swap3A_408 : vector<1x16xf32> to vector<16xf32>
    %swap3A_410 = vector.shape_cast %broadcast_in_dim3A_75 : vector<16xf32> to vector<1x16xf32>
    tpu.vector_store %arg8[%swap3A_406, %swap3A_407], %swap3A_410 {strides = array<i32>} : memref<16x128xf32, #tpu.memory_space<vmem>>, vector<1x16xf32>,
    %swap3A_411 = arith.constant 7 : i32
    %swap3A_412 = arith.index_cast %swap3A_411 : i32 to index
    %swap3A_413 = arith.constant 0 : index
    %swap3A_414 = tpu.vector_load %arg8[%swap3A_412, %swap3A_413] {strides = array<i32>} : memref<16x128xf32, #tpu.memory_space<vmem>>, vector<1x16xf32>,
    %swap3A_415 = vector.shape_cast %swap3A_414 : vector<1x16xf32> to vector<16xf32>
    %swap3A_416 = vector.shape_cast %broadcast_in_dim3A_75 : vector<16xf32> to vector<1x16xf32>
    tpu.vector_store %arg8[%swap3A_412, %swap3A_413], %swap3A_416 {strides = array<i32>} : memref<16x128xf32, #tpu.memory_space<vmem>>, vector<1x16xf32>,
    %swap3A_417 = arith.constant 7 : i32
    %swap3A_418 = arith.index_cast %swap3A_417 : i32 to index
    %swap3A_419 = arith.constant 16 : index
    %swap3A_420 = tpu.vector_load %arg8[%swap3A_418, %swap3A_419] {strides = array<i32>} : memref<16x128xf32, #tpu.memory_space<vmem>>, vector<1x16xf32>,
    %swap3A_421 = vector.shape_cast %swap3A_420 : vector<1x16xf32> to vector<16xf32>
    %swap3A_422 = vector.shape_cast %broadcast_in_dim3A_75 : vector<16xf32> to vector<1x16xf32>
    tpu.vector_store %arg8[%swap3A_418, %swap3A_419], %swap3A_422 {strides = array<i32>} : memref<16x128xf32, #tpu.memory_space<vmem>>, vector<1x16xf32>,
    %swap3A_423 = arith.constant 7 : i32
    %swap3A_424 = arith.index_cast %swap3A_423 : i32 to index
    %swap3A_425 = arith.constant 32 : index
    %swap3A_426 = tpu.vector_load %arg8[%swap3A_424, %swap3A_425] {strides = array<i32>} : memref<16x128xf32, #tpu.memory_space<vmem>>, vector<1x16xf32>,
    %swap3A_427 = vector.shape_cast %swap3A_426 : vector<1x16xf32> to vector<16xf32>
    %swap3A_428 = vector.shape_cast %broadcast_in_dim3A_75 : vector<16xf32> to vector<1x16xf32>
    tpu.vector_store %arg8[%swap3A_424, %swap3A_425], %swap3A_428 {strides = array<i32>} : memref<16x128xf32, #tpu.memory_space<vmem>>, vector<1x16xf32>,
    %swap3A_429 = arith.constant 7 : i32
    %swap3A_430 = arith.index_cast %swap3A_429 : i32 to index
    %swap3A_431 = arith.constant 48 : index
    %swap3A_432 = tpu.vector_load %arg8[%swap3A_430, %swap3A_431] {strides = array<i32>} : memref<16x128xf32, #tpu.memory_space<vmem>>, vector<1x16xf32>,
    %swap3A_433 = vector.shape_cast %swap3A_432 : vector<1x16xf32> to vector<16xf32>
    %swap3A_434 = vector.shape_cast %broadcast_in_dim3A_75 : vector<16xf32> to vector<1x16xf32>
    tpu.vector_store %arg8[%swap3A_430, %swap3A_431], %swap3A_434 {strides = array<i32>} : memref<16x128xf32, #tpu.memory_space<vmem>>, vector<1x16xf32>,
    %swap3A_435 = arith.constant 7 : i32
    %swap3A_436 = arith.index_cast %swap3A_435 : i32 to index
    %swap3A_437 = arith.constant 64 : index
    %swap3A_438 = tpu.vector_load %arg8[%swap3A_436, %swap3A_437] {strides = array<i32>} : memref<16x128xf32, #tpu.memory_space<vmem>>, vector<1x16xf32>,
    %swap3A_439 = vector.shape_cast %swap3A_438 : vector<1x16xf32> to vector<16xf32>
    %swap3A_440 = vector.shape_cast %broadcast_in_dim3A_75 : vector<16xf32> to vector<1x16xf32>
    tpu.vector_store %arg8[%swap3A_436, %swap3A_437], %swap3A_440 {strides = array<i32>} : memref<16x128xf32, #tpu.memory_space<vmem>>, vector<1x16xf32>,
    %swap3A_441 = arith.constant 7 : i32
    %swap3A_442 = arith.index_cast %swap3A_441 : i32 to index
    %swap3A_443 = arith.constant 80 : index
    %swap3A_444 = tpu.vector_load %arg8[%swap3A_442, %swap3A_443] {strides = array<i32>} : memref<16x128xf32, #tpu.memory_space<vmem>>, vector<1x16xf32>,
    %swap3A_445 = vector.shape_cast %swap3A_444 : vector<1x16xf32> to vector<16xf32>
    %swap3A_446 = vector.shape_cast %broadcast_in_dim3A_75 : vector<16xf32> to vector<1x16xf32>
    tpu.vector_store %arg8[%swap3A_442, %swap3A_443], %swap3A_446 {strides = array<i32>} : memref<16x128xf32, #tpu.memory_space<vmem>>, vector<1x16xf32>,
    %swap3A_447 = arith.constant 7 : i32
    %swap3A_448 = arith.index_cast %swap3A_447 : i32 to index
    %swap3A_449 = arith.constant 96 : index
    %swap3A_450 = tpu.vector_load %arg8[%swap3A_448, %swap3A_449] {strides = array<i32>} : memref<16x128xf32, #tpu.memory_space<vmem>>, vector<1x16xf32>,
    %swap3A_451 = vector.shape_cast %swap3A_450 : vector<1x16xf32> to vector<16xf32>
    %swap3A_452 = vector.shape_cast %broadcast_in_dim3A_75 : vector<16xf32> to vector<1x16xf32>
    tpu.vector_store %arg8[%swap3A_448, %swap3A_449], %swap3A_452 {strides = array<i32>} : memref<16x128xf32, #tpu.memory_space<vmem>>, vector<1x16xf32>,
    %swap3A_453 = arith.constant 7 : i32
    %swap3A_454 = arith.index_cast %swap3A_453 : i32 to index
    %swap3A_455 = arith.constant 112 : index
    %swap3A_456 = tpu.vector_load %arg8[%swap3A_454, %swap3A_455] {strides = array<i32>} : memref<16x128xf32, #tpu.memory_space<vmem>>, vector<1x16xf32>,
    %swap3A_457 = vector.shape_cast %swap3A_456 : vector<1x16xf32> to vector<16xf32>
    %swap3A_458 = vector.shape_cast %broadcast_in_dim3A_75 : vector<16xf32> to vector<1x16xf32>
    tpu.vector_store %arg8[%swap3A_454, %swap3A_455], %swap3A_458 {strides = array<i32>} : memref<16x128xf32, #tpu.memory_space<vmem>>, vector<1x16xf32>,
    %swap3A_459 = arith.constant 8 : i32
    %swap3A_460 = arith.index_cast %swap3A_459 : i32 to index
    %swap3A_461 = arith.constant 0 : index
    %swap3A_462 = tpu.vector_load %arg8[%swap3A_460, %swap3A_461] {strides = array<i32>} : memref<16x128xf32, #tpu.memory_space<vmem>>, vector<1x16xf32>,
    %swap3A_463 = vector.shape_cast %swap3A_462 : vector<1x16xf32> to vector<16xf32>
    %swap3A_464 = vector.shape_cast %broadcast_in_dim3A_75 : vector<16xf32> to vector<1x16xf32>
    tpu.vector_store %arg8[%swap3A_460, %swap3A_461], %swap3A_464 {strides = array<i32>} : memref<16x128xf32, #tpu.memory_space<vmem>>, vector<1x16xf32>,
    %swap3A_465 = arith.constant 8 : i32
    %swap3A_466 = arith.index_cast %swap3A_465 : i32 to index
    %swap3A_467 = arith.constant 16 : index
    %swap3A_468 = tpu.vector_load %arg8[%swap3A_466, %swap3A_467] {strides = array<i32>} : memref<16x128xf32, #tpu.memory_space<vmem>>, vector<1x16xf32>,
    %swap3A_469 = vector.shape_cast %swap3A_468 : vector<1x16xf32> to vector<16xf32>
    %swap3A_470 = vector.shape_cast %broadcast_in_dim3A_75 : vector<16xf32> to vector<1x16xf32>
    tpu.vector_store %arg8[%swap3A_466, %swap3A_467], %swap3A_470 {strides = array<i32>} : memref<16x128xf32, #tpu.memory_space<vmem>>, vector<1x16xf32>,
    %swap3A_471 = arith.constant 8 : i32
    %swap3A_472 = arith.index_cast %swap3A_471 : i32 to index
    %swap3A_473 = arith.constant 32 : index
    %swap3A_474 = tpu.vector_load %arg8[%swap3A_472, %swap3A_473] {strides = array<i32>} : memref<16x128xf32, #tpu.memory_space<vmem>>, vector<1x16xf32>,
    %swap3A_475 = vector.shape_cast %swap3A_474 : vector<1x16xf32> to vector<16xf32>
    %swap3A_476 = vector.shape_cast %broadcast_in_dim3A_75 : vector<16xf32> to vector<1x16xf32>
    tpu.vector_store %arg8[%swap3A_472, %swap3A_473], %swap3A_476 {strides = array<i32>} : memref<16x128xf32, #tpu.memory_space<vmem>>, vector<1x16xf32>,
    %swap3A_477 = arith.constant 8 : i32
    %swap3A_478 = arith.index_cast %swap3A_477 : i32 to index
    %swap3A_479 = arith.constant 48 : index
    %swap3A_480 = tpu.vector_load %arg8[%swap3A_478, %swap3A_479] {strides = array<i32>} : memref<16x128xf32, #tpu.memory_space<vmem>>, vector<1x16xf32>,
    %swap3A_481 = vector.shape_cast %swap3A_480 : vector<1x16xf32> to vector<16xf32>
    %swap3A_482 = vector.shape_cast %broadcast_in_dim3A_75 : vector<16xf32> to vector<1x16xf32>
    tpu.vector_store %arg8[%swap3A_478, %swap3A_479], %swap3A_482 {strides = array<i32>} : memref<16x128xf32, #tpu.memory_space<vmem>>, vector<1x16xf32>,
    %swap3A_483 = arith.constant 8 : i32
    %swap3A_484 = arith.index_cast %swap3A_483 : i32 to index
    %swap3A_485 = arith.constant 64 : index
    %swap3A_486 = tpu.vector_load %arg8[%swap3A_484, %swap3A_485] {strides = array<i32>} : memref<16x128xf32, #tpu.memory_space<vmem>>, vector<1x16xf32>,
    %swap3A_487 = vector.shape_cast %swap3A_486 : vector<1x16xf32> to vector<16xf32>
    %swap3A_488 = vector.shape_cast %broadcast_in_dim3A_75 : vector<16xf32> to vector<1x16xf32>
    tpu.vector_store %arg8[%swap3A_484, %swap3A_485], %swap3A_488 {strides = array<i32>} : memref<16x128xf32, #tpu.memory_space<vmem>>, vector<1x16xf32>,
    %swap3A_489 = arith.constant 8 : i32
    %swap3A_490 = arith.index_cast %swap3A_489 : i32 to index
    %swap3A_491 = arith.constant 80 : index
    %swap3A_492 = tpu.vector_load %arg8[%swap3A_490, %swap3A_491] {strides = array<i32>} : memref<16x128xf32, #tpu.memory_space<vmem>>, vector<1x16xf32>,
    %swap3A_493 = vector.shape_cast %swap3A_492 : vector<1x16xf32> to vector<16xf32>
    %swap3A_494 = vector.shape_cast %broadcast_in_dim3A_75 : vector<16xf32> to vector<1x16xf32>
    tpu.vector_store %arg8[%swap3A_490, %swap3A_491], %swap3A_494 {strides = array<i32>} : memref<16x128xf32, #tpu.memory_space<vmem>>, vector<1x16xf32>,
    %swap3A_495 = arith.constant 8 : i32
    %swap3A_496 = arith.index_cast %swap3A_495 : i32 to index
    %swap3A_497 = arith.constant 96 : index
    %swap3A_498 = tpu.vector_load %arg8[%swap3A_496, %swap3A_497] {strides = array<i32>} : memref<16x128xf32, #tpu.memory_space<vmem>>, vector<1x16xf32>,
    %swap3A_499 = vector.shape_cast %swap3A_498 : vector<1x16xf32> to vector<16xf32>
    %swap3A_500 = vector.shape_cast %broadcast_in_dim3A_75 : vector<16xf32> to vector<1x16xf32>
    tpu.vector_store %arg8[%swap3A_496, %swap3A_497], %swap3A_500 {strides = array<i32>} : memref<16x128xf32, #tpu.memory_space<vmem>>, vector<1x16xf32>,
    %swap3A_501 = arith.constant 8 : i32
    %swap3A_502 = arith.index_cast %swap3A_501 : i32 to index
    %swap3A_503 = arith.constant 112 : index
    %swap3A_504 = tpu.vector_load %arg8[%swap3A_502, %swap3A_503] {strides = array<i32>} : memref<16x128xf32, #tpu.memory_space<vmem>>, vector<1x16xf32>,
    %swap3A_505 = vector.shape_cast %swap3A_504 : vector<1x16xf32> to vector<16xf32>
    %swap3A_506 = vector.shape_cast %broadcast_in_dim3A_75 : vector<16xf32> to vector<1x16xf32>
    tpu.vector_store %arg8[%swap3A_502, %swap3A_503], %swap3A_506 {strides = array<i32>} : memref<16x128xf32, #tpu.memory_space<vmem>>, vector<1x16xf32>,
    %swap3A_507 = arith.constant 9 : i32
    %swap3A_508 = arith.index_cast %swap3A_507 : i32 to index
    %swap3A_509 = arith.constant 0 : index
    %swap3A_510 = tpu.vector_load %arg8[%swap3A_508, %swap3A_509] {strides = array<i32>} : memref<16x128xf32, #tpu.memory_space<vmem>>, vector<1x16xf32>,
    %swap3A_511 = vector.shape_cast %swap3A_510 : vector<1x16xf32> to vector<16xf32>
    %swap3A_512 = vector.shape_cast %broadcast_in_dim3A_75 : vector<16xf32> to vector<1x16xf32>
    tpu.vector_store %arg8[%swap3A_508, %swap3A_509], %swap3A_512 {strides = array<i32>} : memref<16x128xf32, #tpu.memory_space<vmem>>, vector<1x16xf32>,
    %swap3A_513 = arith.constant 9 : i32
    %swap3A_514 = arith.index_cast %swap3A_513 : i32 to index
    %swap3A_515 = arith.constant 16 : index
    %swap3A_516 = tpu.vector_load %arg8[%swap3A_514, %swap3A_515] {strides = array<i32>} : memref<16x128xf32, #tpu.memory_space<vmem>>, vector<1x16xf32>,
    %swap3A_517 = vector.shape_cast %swap3A_516 : vector<1x16xf32> to vector<16xf32>
    %swap3A_518 = vector.shape_cast %broadcast_in_dim3A_75 : vector<16xf32> to vector<1x16xf32>
    tpu.vector_store %arg8[%swap3A_514, %swap3A_515], %swap3A_518 {strides = array<i32>} : memref<16x128xf32, #tpu.memory_space<vmem>>, vector<1x16xf32>,
    %swap3A_519 = arith.constant 9 : i32
    %swap3A_520 = arith.index_cast %swap3A_519 : i32 to index
    %swap3A_521 = arith.constant 32 : index
    %swap3A_522 = tpu.vector_load %arg8[%swap3A_520, %swap3A_521] {strides = array<i32>} : memref<16x128xf32, #tpu.memory_space<vmem>>, vector<1x16xf32>,
    %swap3A_523 = vector.shape_cast %swap3A_522 : vector<1x16xf32> to vector<16xf32>
    %swap3A_524 = vector.shape_cast %broadcast_in_dim3A_75 : vector<16xf32> to vector<1x16xf32>
    tpu.vector_store %arg8[%swap3A_520, %swap3A_521], %swap3A_524 {strides = array<i32>} : memref<16x128xf32, #tpu.memory_space<vmem>>, vector<1x16xf32>,
    %swap3A_525 = arith.constant 9 : i32
    %swap3A_526 = arith.index_cast %swap3A_525 : i32 to index
    %swap3A_527 = arith.constant 48 : index
    %swap3A_528 = tpu.vector_load %arg8[%swap3A_526, %swap3A_527] {strides = array<i32>} : memref<16x128xf32, #tpu.memory_space<vmem>>, vector<1x16xf32>,
    %swap3A_529 = vector.shape_cast %swap3A_528 : vector<1x16xf32> to vector<16xf32>
    %swap3A_530 = vector.shape_cast %broadcast_in_dim3A_75 : vector<16xf32> to vector<1x16xf32>
    tpu.vector_store %arg8[%swap3A_526, %swap3A_527], %swap3A_530 {strides = array<i32>} : memref<16x128xf32, #tpu.memory_space<vmem>>, vector<1x16xf32>,
    %swap3A_531 = arith.constant 9 : i32
    %swap3A_532 = arith.index_cast %swap3A_531 : i32 to index
    %swap3A_533 = arith.constant 64 : index
    %swap3A_534 = tpu.vector_load %arg8[%swap3A_532, %swap3A_533] {strides = array<i32>} : memref<16x128xf32, #tpu.memory_space<vmem>>, vector<1x16xf32>,
    %swap3A_535 = vector.shape_cast %swap3A_534 : vector<1x16xf32> to vector<16xf32>
    %swap3A_536 = vector.shape_cast %broadcast_in_dim3A_75 : vector<16xf32> to vector<1x16xf32>
    tpu.vector_store %arg8[%swap3A_532, %swap3A_533], %swap3A_536 {strides = array<i32>} : memref<16x128xf32, #tpu.memory_space<vmem>>, vector<1x16xf32>,
    %swap3A_537 = arith.constant 9 : i32
    %swap3A_538 = arith.index_cast %swap3A_537 : i32 to index
    %swap3A_539 = arith.constant 80 : index
    %swap3A_540 = tpu.vector_load %arg8[%swap3A_538, %swap3A_539] {strides = array<i32>} : memref<16x128xf32, #tpu.memory_space<vmem>>, vector<1x16xf32>,
    %swap3A_541 = vector.shape_cast %swap3A_540 : vector<1x16xf32> to vector<16xf32>
    %swap3A_542 = vector.shape_cast %broadcast_in_dim3A_75 : vector<16xf32> to vector<1x16xf32>
    tpu.vector_store %arg8[%swap3A_538, %swap3A_539], %swap3A_542 {strides = array<i32>} : memref<16x128xf32, #tpu.memory_space<vmem>>, vector<1x16xf32>,
    %swap3A_543 = arith.constant 9 : i32
    %swap3A_544 = arith.index_cast %swap3A_543 : i32 to index
    %swap3A_545 = arith.constant 96 : index
    %swap3A_546 = tpu.vector_load %arg8[%swap3A_544, %swap3A_545] {strides = array<i32>} : memref<16x128xf32, #tpu.memory_space<vmem>>, vector<1x16xf32>,
    %swap3A_547 = vector.shape_cast %swap3A_546 : vector<1x16xf32> to vector<16xf32>
    %swap3A_548 = vector.shape_cast %broadcast_in_dim3A_75 : vector<16xf32> to vector<1x16xf32>
    tpu.vector_store %arg8[%swap3A_544, %swap3A_545], %swap3A_548 {strides = array<i32>} : memref<16x128xf32, #tpu.memory_space<vmem>>, vector<1x16xf32>,
    %swap3A_549 = arith.constant 9 : i32
    %swap3A_550 = arith.index_cast %swap3A_549 : i32 to index
    %swap3A_551 = arith.constant 112 : index
    %swap3A_552 = tpu.vector_load %arg8[%swap3A_550, %swap3A_551] {strides = array<i32>} : memref<16x128xf32, #tpu.memory_space<vmem>>, vector<1x16xf32>,
    %swap3A_553 = vector.shape_cast %swap3A_552 : vector<1x16xf32> to vector<16xf32>
    %swap3A_554 = vector.shape_cast %broadcast_in_dim3A_75 : vector<16xf32> to vector<1x16xf32>
    tpu.vector_store %arg8[%swap3A_550, %swap3A_551], %swap3A_554 {strides = array<i32>} : memref<16x128xf32, #tpu.memory_space<vmem>>, vector<1x16xf32>,
    %swap3A_555 = arith.constant 10 : i32
    %swap3A_556 = arith.index_cast %swap3A_555 : i32 to index
    %swap3A_557 = arith.constant 0 : index
    %swap3A_558 = tpu.vector_load %arg8[%swap3A_556, %swap3A_557] {strides = array<i32>} : memref<16x128xf32, #tpu.memory_space<vmem>>, vector<1x16xf32>,
    %swap3A_559 = vector.shape_cast %swap3A_558 : vector<1x16xf32> to vector<16xf32>
    %swap3A_560 = vector.shape_cast %broadcast_in_dim3A_75 : vector<16xf32> to vector<1x16xf32>
    tpu.vector_store %arg8[%swap3A_556, %swap3A_557], %swap3A_560 {strides = array<i32>} : memref<16x128xf32, #tpu.memory_space<vmem>>, vector<1x16xf32>,
    %swap3A_561 = arith.constant 10 : i32
    %swap3A_562 = arith.index_cast %swap3A_561 : i32 to index
    %swap3A_563 = arith.constant 16 : index
    %swap3A_564 = tpu.vector_load %arg8[%swap3A_562, %swap3A_563] {strides = array<i32>} : memref<16x128xf32, #tpu.memory_space<vmem>>, vector<1x16xf32>,
    %swap3A_565 = vector.shape_cast %swap3A_564 : vector<1x16xf32> to vector<16xf32>
    %swap3A_566 = vector.shape_cast %broadcast_in_dim3A_75 : vector<16xf32> to vector<1x16xf32>
    tpu.vector_store %arg8[%swap3A_562, %swap3A_563], %swap3A_566 {strides = array<i32>} : memref<16x128xf32, #tpu.memory_space<vmem>>, vector<1x16xf32>,
    %swap3A_567 = arith.constant 10 : i32
    %swap3A_568 = arith.index_cast %swap3A_567 : i32 to index
    %swap3A_569 = arith.constant 32 : index
    %swap3A_570 = tpu.vector_load %arg8[%swap3A_568, %swap3A_569] {strides = array<i32>} : memref<16x128xf32, #tpu.memory_space<vmem>>, vector<1x16xf32>,
    %swap3A_571 = vector.shape_cast %swap3A_570 : vector<1x16xf32> to vector<16xf32>
    %swap3A_572 = vector.shape_cast %broadcast_in_dim3A_75 : vector<16xf32> to vector<1x16xf32>
    tpu.vector_store %arg8[%swap3A_568, %swap3A_569], %swap3A_572 {strides = array<i32>} : memref<16x128xf32, #tpu.memory_space<vmem>>, vector<1x16xf32>,
    %swap3A_573 = arith.constant 10 : i32
    %swap3A_574 = arith.index_cast %swap3A_573 : i32 to index
    %swap3A_575 = arith.constant 48 : index
    %swap3A_576 = tpu.vector_load %arg8[%swap3A_574, %swap3A_575] {strides = array<i32>} : memref<16x128xf32, #tpu.memory_space<vmem>>, vector<1x16xf32>,
    %swap3A_577 = vector.shape_cast %swap3A_576 : vector<1x16xf32> to vector<16xf32>
    %swap3A_578 = vector.shape_cast %broadcast_in_dim3A_75 : vector<16xf32> to vector<1x16xf32>
    tpu.vector_store %arg8[%swap3A_574, %swap3A_575], %swap3A_578 {strides = array<i32>} : memref<16x128xf32, #tpu.memory_space<vmem>>, vector<1x16xf32>,
    %swap3A_579 = arith.constant 10 : i32
    %swap3A_580 = arith.index_cast %swap3A_579 : i32 to index
    %swap3A_581 = arith.constant 64 : index
    %swap3A_582 = tpu.vector_load %arg8[%swap3A_580, %swap3A_581] {strides = array<i32>} : memref<16x128xf32, #tpu.memory_space<vmem>>, vector<1x16xf32>,
    %swap3A_583 = vector.shape_cast %swap3A_582 : vector<1x16xf32> to vector<16xf32>
    %swap3A_584 = vector.shape_cast %broadcast_in_dim3A_75 : vector<16xf32> to vector<1x16xf32>
    tpu.vector_store %arg8[%swap3A_580, %swap3A_581], %swap3A_584 {strides = array<i32>} : memref<16x128xf32, #tpu.memory_space<vmem>>, vector<1x16xf32>,
    %swap3A_585 = arith.constant 10 : i32
    %swap3A_586 = arith.index_cast %swap3A_585 : i32 to index
    %swap3A_587 = arith.constant 80 : index
    %swap3A_588 = tpu.vector_load %arg8[%swap3A_586, %swap3A_587] {strides = array<i32>} : memref<16x128xf32, #tpu.memory_space<vmem>>, vector<1x16xf32>,
    %swap3A_589 = vector.shape_cast %swap3A_588 : vector<1x16xf32> to vector<16xf32>
    %swap3A_590 = vector.shape_cast %broadcast_in_dim3A_75 : vector<16xf32> to vector<1x16xf32>
    tpu.vector_store %arg8[%swap3A_586, %swap3A_587], %swap3A_590 {strides = array<i32>} : memref<16x128xf32, #tpu.memory_space<vmem>>, vector<1x16xf32>,
    %swap3A_591 = arith.constant 10 : i32
    %swap3A_592 = arith.index_cast %swap3A_591 : i32 to index
    %swap3A_593 = arith.constant 96 : index
    %swap3A_594 = tpu.vector_load %arg8[%swap3A_592, %swap3A_593] {strides = array<i32>} : memref<16x128xf32, #tpu.memory_space<vmem>>, vector<1x16xf32>,
    %swap3A_595 = vector.shape_cast %swap3A_594 : vector<1x16xf32> to vector<16xf32>
    %swap3A_596 = vector.shape_cast %broadcast_in_dim3A_75 : vector<16xf32> to vector<1x16xf32>
    tpu.vector_store %arg8[%swap3A_592, %swap3A_593], %swap3A_596 {strides = array<i32>} : memref<16x128xf32, #tpu.memory_space<vmem>>, vector<1x16xf32>,
    %swap3A_597 = arith.constant 10 : i32
    %swap3A_598 = arith.index_cast %swap3A_597 : i32 to index
    %swap3A_599 = arith.constant 112 : index
    %swap3A_600 = tpu.vector_load %arg8[%swap3A_598, %swap3A_599] {strides = array<i32>} : memref<16x128xf32, #tpu.memory_space<vmem>>, vector<1x16xf32>,
    %swap3A_601 = vector.shape_cast %swap3A_600 : vector<1x16xf32> to vector<16xf32>
    %swap3A_602 = vector.shape_cast %broadcast_in_dim3A_75 : vector<16xf32> to vector<1x16xf32>
    tpu.vector_store %arg8[%swap3A_598, %swap3A_599], %swap3A_602 {strides = array<i32>} : memref<16x128xf32, #tpu.memory_space<vmem>>, vector<1x16xf32>,
    %swap3A_603 = arith.constant 11 : i32
    %swap3A_604 = arith.index_cast %swap3A_603 : i32 to index
    %swap3A_605 = arith.constant 0 : index
    %swap3A_606 = tpu.vector_load %arg8[%swap3A_604, %swap3A_605] {strides = array<i32>} : memref<16x128xf32, #tpu.memory_space<vmem>>, vector<1x16xf32>,
    %swap3A_607 = vector.shape_cast %swap3A_606 : vector<1x16xf32> to vector<16xf32>
    %swap3A_608 = vector.shape_cast %broadcast_in_dim3A_75 : vector<16xf32> to vector<1x16xf32>
    tpu.vector_store %arg8[%swap3A_604, %swap3A_605], %swap3A_608 {strides = array<i32>} : memref<16x128xf32, #tpu.memory_space<vmem>>, vector<1x16xf32>,
    %swap3A_609 = arith.constant 11 : i32
    %swap3A_610 = arith.index_cast %swap3A_609 : i32 to index
    %swap3A_611 = arith.constant 16 : index
    %swap3A_612 = tpu.vector_load %arg8[%swap3A_610, %swap3A_611] {strides = array<i32>} : memref<16x128xf32, #tpu.memory_space<vmem>>, vector<1x16xf32>,
    %swap3A_613 = vector.shape_cast %swap3A_612 : vector<1x16xf32> to vector<16xf32>
    %swap3A_614 = vector.shape_cast %broadcast_in_dim3A_75 : vector<16xf32> to vector<1x16xf32>
    tpu.vector_store %arg8[%swap3A_610, %swap3A_611], %swap3A_614 {strides = array<i32>} : memref<16x128xf32, #tpu.memory_space<vmem>>, vector<1x16xf32>,
    %swap3A_615 = arith.constant 11 : i32
    %swap3A_616 = arith.index_cast %swap3A_615 : i32 to index
    %swap3A_617 = arith.constant 32 : index
    %swap3A_618 = tpu.vector_load %arg8[%swap3A_616, %swap3A_617] {strides = array<i32>} : memref<16x128xf32, #tpu.memory_space<vmem>>, vector<1x16xf32>,
    %swap3A_619 = vector.shape_cast %swap3A_618 : vector<1x16xf32> to vector<16xf32>
    %swap3A_620 = vector.shape_cast %broadcast_in_dim3A_75 : vector<16xf32> to vector<1x16xf32>
    tpu.vector_store %arg8[%swap3A_616, %swap3A_617], %swap3A_620 {strides = array<i32>} : memref<16x128xf32, #tpu.memory_space<vmem>>, vector<1x16xf32>,
    %swap3A_621 = arith.constant 11 : i32
    %swap3A_622 = arith.index_cast %swap3A_621 : i32 to index
    %swap3A_623 = arith.constant 48 : index
    %swap3A_624 = tpu.vector_load %arg8[%swap3A_622, %swap3A_623] {strides = array<i32>} : memref<16x128xf32, #tpu.memory_space<vmem>>, vector<1x16xf32>,
    %swap3A_625 = vector.shape_cast %swap3A_624 : vector<1x16xf32> to vector<16xf32>
    %swap3A_626 = vector.shape_cast %broadcast_in_dim3A_75 : vector<16xf32> to vector<1x16xf32>
    tpu.vector_store %arg8[%swap3A_622, %swap3A_623], %swap3A_626 {strides = array<i32>} : memref<16x128xf32, #tpu.memory_space<vmem>>, vector<1x16xf32>,
    %swap3A_627 = arith.constant 11 : i32
    %swap3A_628 = arith.index_cast %swap3A_627 : i32 to index
    %swap3A_629 = arith.constant 64 : index
    %swap3A_630 = tpu.vector_load %arg8[%swap3A_628, %swap3A_629] {strides = array<i32>} : memref<16x128xf32, #tpu.memory_space<vmem>>, vector<1x16xf32>,
    %swap3A_631 = vector.shape_cast %swap3A_630 : vector<1x16xf32> to vector<16xf32>
    %swap3A_632 = vector.shape_cast %broadcast_in_dim3A_75 : vector<16xf32> to vector<1x16xf32>
    tpu.vector_store %arg8[%swap3A_628, %swap3A_629], %swap3A_632 {strides = array<i32>} : memref<16x128xf32, #tpu.memory_space<vmem>>, vector<1x16xf32>,
    %swap3A_633 = arith.constant 11 : i32
    %swap3A_634 = arith.index_cast %swap3A_633 : i32 to index
    %swap3A_635 = arith.constant 80 : index
    %swap3A_636 = tpu.vector_load %arg8[%swap3A_634, %swap3A_635] {strides = array<i32>} : memref<16x128xf32, #tpu.memory_space<vmem>>, vector<1x16xf32>,
    %swap3A_637 = vector.shape_cast %swap3A_636 : vector<1x16xf32> to vector<16xf32>
    %swap3A_638 = vector.shape_cast %broadcast_in_dim3A_75 : vector<16xf32> to vector<1x16xf32>
    tpu.vector_store %arg8[%swap3A_634, %swap3A_635], %swap3A_638 {strides = array<i32>} : memref<16x128xf32, #tpu.memory_space<vmem>>, vector<1x16xf32>,
    %swap3A_639 = arith.constant 11 : i32
    %swap3A_640 = arith.index_cast %swap3A_639 : i32 to index
    %swap3A_641 = arith.constant 96 : index
    %swap3A_642 = tpu.vector_load %arg8[%swap3A_640, %swap3A_641] {strides = array<i32>} : memref<16x128xf32, #tpu.memory_space<vmem>>, vector<1x16xf32>,
    %swap3A_643 = vector.shape_cast %swap3A_642 : vector<1x16xf32> to vector<16xf32>
    %swap3A_644 = vector.shape_cast %broadcast_in_dim3A_75 : vector<16xf32> to vector<1x16xf32>
    tpu.vector_store %arg8[%swap3A_640, %swap3A_641], %swap3A_644 {strides = array<i32>} : memref<16x128xf32, #tpu.memory_space<vmem>>, vector<1x16xf32>,
    %swap3A_645 = arith.constant 11 : i32
    %swap3A_646 = arith.index_cast %swap3A_645 : i32 to index
    %swap3A_647 = arith.constant 112 : index
    %swap3A_648 = tpu.vector_load %arg8[%swap3A_646, %swap3A_647] {strides = array<i32>} : memref<16x128xf32, #tpu.memory_space<vmem>>, vector<1x16xf32>,
    %swap3A_649 = vector.shape_cast %swap3A_648 : vector<1x16xf32> to vector<16xf32>
    %swap3A_650 = vector.shape_cast %broadcast_in_dim3A_75 : vector<16xf32> to vector<1x16xf32>
    tpu.vector_store %arg8[%swap3A_646, %swap3A_647], %swap3A_650 {strides = array<i32>} : memref<16x128xf32, #tpu.memory_space<vmem>>, vector<1x16xf32>,
    %swap3A_651 = arith.constant 12 : i32
    %swap3A_652 = arith.index_cast %swap3A_651 : i32 to index
    %swap3A_653 = arith.constant 0 : index
    %swap3A_654 = tpu.vector_load %arg8[%swap3A_652, %swap3A_653] {strides = array<i32>} : memref<16x128xf32, #tpu.memory_space<vmem>>, vector<1x16xf32>,
    %swap3A_655 = vector.shape_cast %swap3A_654 : vector<1x16xf32> to vector<16xf32>
    %swap3A_656 = vector.shape_cast %broadcast_in_dim3A_75 : vector<16xf32> to vector<1x16xf32>
    tpu.vector_store %arg8[%swap3A_652, %swap3A_653], %swap3A_656 {strides = array<i32>} : memref<16x128xf32, #tpu.memory_space<vmem>>, vector<1x16xf32>,
    %swap3A_657 = arith.constant 12 : i32
    %swap3A_658 = arith.index_cast %swap3A_657 : i32 to index
    %swap3A_659 = arith.constant 16 : index
    %swap3A_660 = tpu.vector_load %arg8[%swap3A_658, %swap3A_659] {strides = array<i32>} : memref<16x128xf32, #tpu.memory_space<vmem>>, vector<1x16xf32>,
    %swap3A_661 = vector.shape_cast %swap3A_660 : vector<1x16xf32> to vector<16xf32>
    %swap3A_662 = vector.shape_cast %broadcast_in_dim3A_75 : vector<16xf32> to vector<1x16xf32>
    tpu.vector_store %arg8[%swap3A_658, %swap3A_659], %swap3A_662 {strides = array<i32>} : memref<16x128xf32, #tpu.memory_space<vmem>>, vector<1x16xf32>,
    %swap3A_663 = arith.constant 12 : i32
    %swap3A_664 = arith.index_cast %swap3A_663 : i32 to index
    %swap3A_665 = arith.constant 32 : index
    %swap3A_666 = tpu.vector_load %arg8[%swap3A_664, %swap3A_665] {strides = array<i32>} : memref<16x128xf32, #tpu.memory_space<vmem>>, vector<1x16xf32>,
    %swap3A_667 = vector.shape_cast %swap3A_666 : vector<1x16xf32> to vector<16xf32>
    %swap3A_668 = vector.shape_cast %broadcast_in_dim3A_75 : vector<16xf32> to vector<1x16xf32>
    tpu.vector_store %arg8[%swap3A_664, %swap3A_665], %swap3A_668 {strides = array<i32>} : memref<16x128xf32, #tpu.memory_space<vmem>>, vector<1x16xf32>,
    %swap3A_669 = arith.constant 12 : i32
    %swap3A_670 = arith.index_cast %swap3A_669 : i32 to index
    %swap3A_671 = arith.constant 48 : index
    %swap3A_672 = tpu.vector_load %arg8[%swap3A_670, %swap3A_671] {strides = array<i32>} : memref<16x128xf32, #tpu.memory_space<vmem>>, vector<1x16xf32>,
    %swap3A_673 = vector.shape_cast %swap3A_672 : vector<1x16xf32> to vector<16xf32>
    %swap3A_674 = vector.shape_cast %broadcast_in_dim3A_75 : vector<16xf32> to vector<1x16xf32>
    tpu.vector_store %arg8[%swap3A_670, %swap3A_671], %swap3A_674 {strides = array<i32>} : memref<16x128xf32, #tpu.memory_space<vmem>>, vector<1x16xf32>,
    %swap3A_675 = arith.constant 12 : i32
    %swap3A_676 = arith.index_cast %swap3A_675 : i32 to index
    %swap3A_677 = arith.constant 64 : index
    %swap3A_678 = tpu.vector_load %arg8[%swap3A_676, %swap3A_677] {strides = array<i32>} : memref<16x128xf32, #tpu.memory_space<vmem>>, vector<1x16xf32>,
    %swap3A_679 = vector.shape_cast %swap3A_678 : vector<1x16xf32> to vector<16xf32>
    %swap3A_680 = vector.shape_cast %broadcast_in_dim3A_75 : vector<16xf32> to vector<1x16xf32>
    tpu.vector_store %arg8[%swap3A_676, %swap3A_677], %swap3A_680 {strides = array<i32>} : memref<16x128xf32, #tpu.memory_space<vmem>>, vector<1x16xf32>,
    %swap3A_681 = arith.constant 12 : i32
    %swap3A_682 = arith.index_cast %swap3A_681 : i32 to index
    %swap3A_683 = arith.constant 80 : index
    %swap3A_684 = tpu.vector_load %arg8[%swap3A_682, %swap3A_683] {strides = array<i32>} : memref<16x128xf32, #tpu.memory_space<vmem>>, vector<1x16xf32>,
    %swap3A_685 = vector.shape_cast %swap3A_684 : vector<1x16xf32> to vector<16xf32>
    %swap3A_686 = vector.shape_cast %broadcast_in_dim3A_75 : vector<16xf32> to vector<1x16xf32>
    tpu.vector_store %arg8[%swap3A_682, %swap3A_683], %swap3A_686 {strides = array<i32>} : memref<16x128xf32, #tpu.memory_space<vmem>>, vector<1x16xf32>,
    %swap3A_687 = arith.constant 12 : i32
    %swap3A_688 = arith.index_cast %swap3A_687 : i32 to index
    %swap3A_689 = arith.constant 96 : index
    %swap3A_690 = tpu.vector_load %arg8[%swap3A_688, %swap3A_689] {strides = array<i32>} : memref<16x128xf32, #tpu.memory_space<vmem>>, vector<1x16xf32>,
    %swap3A_691 = vector.shape_cast %swap3A_690 : vector<1x16xf32> to vector<16xf32>
    %swap3A_692 = vector.shape_cast %broadcast_in_dim3A_75 : vector<16xf32> to vector<1x16xf32>
    tpu.vector_store %arg8[%swap3A_688, %swap3A_689], %swap3A_692 {strides = array<i32>} : memref<16x128xf32, #tpu.memory_space<vmem>>, vector<1x16xf32>,
    %swap3A_693 = arith.constant 12 : i32
    %swap3A_694 = arith.index_cast %swap3A_693 : i32 to index
    %swap3A_695 = arith.constant 112 : index
    %swap3A_696 = tpu.vector_load %arg8[%swap3A_694, %swap3A_695] {strides = array<i32>} : memref<16x128xf32, #tpu.memory_space<vmem>>, vector<1x16xf32>,
    %swap3A_697 = vector.shape_cast %swap3A_696 : vector<1x16xf32> to vector<16xf32>
    %swap3A_698 = vector.shape_cast %broadcast_in_dim3A_75 : vector<16xf32> to vector<1x16xf32>
    tpu.vector_store %arg8[%swap3A_694, %swap3A_695], %swap3A_698 {strides = array<i32>} : memref<16x128xf32, #tpu.memory_space<vmem>>, vector<1x16xf32>,
    %swap3A_699 = arith.constant 13 : i32
    %swap3A_700 = arith.index_cast %swap3A_699 : i32 to index
    %swap3A_701 = arith.constant 0 : index
    %swap3A_702 = tpu.vector_load %arg8[%swap3A_700, %swap3A_701] {strides = array<i32>} : memref<16x128xf32, #tpu.memory_space<vmem>>, vector<1x16xf32>,
    %swap3A_703 = vector.shape_cast %swap3A_702 : vector<1x16xf32> to vector<16xf32>
    %swap3A_704 = vector.shape_cast %broadcast_in_dim3A_75 : vector<16xf32> to vector<1x16xf32>
    tpu.vector_store %arg8[%swap3A_700, %swap3A_701], %swap3A_704 {strides = array<i32>} : memref<16x128xf32, #tpu.memory_space<vmem>>, vector<1x16xf32>,
    %swap3A_705 = arith.constant 13 : i32
    %swap3A_706 = arith.index_cast %swap3A_705 : i32 to index
    %swap3A_707 = arith.constant 16 : index
    %swap3A_708 = tpu.vector_load %arg8[%swap3A_706, %swap3A_707] {strides = array<i32>} : memref<16x128xf32, #tpu.memory_space<vmem>>, vector<1x16xf32>,
    %swap3A_709 = vector.shape_cast %swap3A_708 : vector<1x16xf32> to vector<16xf32>
    %swap3A_710 = vector.shape_cast %broadcast_in_dim3A_75 : vector<16xf32> to vector<1x16xf32>
    tpu.vector_store %arg8[%swap3A_706, %swap3A_707], %swap3A_710 {strides = array<i32>} : memref<16x128xf32, #tpu.memory_space<vmem>>, vector<1x16xf32>,
    %swap3A_711 = arith.constant 13 : i32
    %swap3A_712 = arith.index_cast %swap3A_711 : i32 to index
    %swap3A_713 = arith.constant 32 : index
    %swap3A_714 = tpu.vector_load %arg8[%swap3A_712, %swap3A_713] {strides = array<i32>} : memref<16x128xf32, #tpu.memory_space<vmem>>, vector<1x16xf32>,
    %swap3A_715 = vector.shape_cast %swap3A_714 : vector<1x16xf32> to vector<16xf32>
    %swap3A_716 = vector.shape_cast %broadcast_in_dim3A_75 : vector<16xf32> to vector<1x16xf32>
    tpu.vector_store %arg8[%swap3A_712, %swap3A_713], %swap3A_716 {strides = array<i32>} : memref<16x128xf32, #tpu.memory_space<vmem>>, vector<1x16xf32>,
    %swap3A_717 = arith.constant 13 : i32
    %swap3A_718 = arith.index_cast %swap3A_717 : i32 to index
    %swap3A_719 = arith.constant 48 : index
    %swap3A_720 = tpu.vector_load %arg8[%swap3A_718, %swap3A_719] {strides = array<i32>} : memref<16x128xf32, #tpu.memory_space<vmem>>, vector<1x16xf32>,
    %swap3A_721 = vector.shape_cast %swap3A_720 : vector<1x16xf32> to vector<16xf32>
    %swap3A_722 = vector.shape_cast %broadcast_in_dim3A_75 : vector<16xf32> to vector<1x16xf32>
    tpu.vector_store %arg8[%swap3A_718, %swap3A_719], %swap3A_722 {strides = array<i32>} : memref<16x128xf32, #tpu.memory_space<vmem>>, vector<1x16xf32>,
    %swap3A_723 = arith.constant 13 : i32
    %swap3A_724 = arith.index_cast %swap3A_723 : i32 to index
    %swap3A_725 = arith.constant 64 : index
    %swap3A_726 = tpu.vector_load %arg8[%swap3A_724, %swap3A_725] {strides = array<i32>} : memref<16x128xf32, #tpu.memory_space<vmem>>, vector<1x16xf32>,
    %swap3A_727 = vector.shape_cast %swap3A_726 : vector<1x16xf32> to vector<16xf32>
    %swap3A_728 = vector.shape_cast %broadcast_in_dim3A_75 : vector<16xf32> to vector<1x16xf32>
    tpu.vector_store %arg8[%swap3A_724, %swap3A_725], %swap3A_728 {strides = array<i32>} : memref<16x128xf32, #tpu.memory_space<vmem>>, vector<1x16xf32>,
    %swap3A_729 = arith.constant 13 : i32
    %swap3A_730 = arith.index_cast %swap3A_729 : i32 to index
    %swap3A_731 = arith.constant 80 : index
    %swap3A_732 = tpu.vector_load %arg8[%swap3A_730, %swap3A_731] {strides = array<i32>} : memref<16x128xf32, #tpu.memory_space<vmem>>, vector<1x16xf32>,
    %swap3A_733 = vector.shape_cast %swap3A_732 : vector<1x16xf32> to vector<16xf32>
    %swap3A_734 = vector.shape_cast %broadcast_in_dim3A_75 : vector<16xf32> to vector<1x16xf32>
    tpu.vector_store %arg8[%swap3A_730, %swap3A_731], %swap3A_734 {strides = array<i32>} : memref<16x128xf32, #tpu.memory_space<vmem>>, vector<1x16xf32>,
    %swap3A_735 = arith.constant 13 : i32
    %swap3A_736 = arith.index_cast %swap3A_735 : i32 to index
    %swap3A_737 = arith.constant 96 : index
    %swap3A_738 = tpu.vector_load %arg8[%swap3A_736, %swap3A_737] {strides = array<i32>} : memref<16x128xf32, #tpu.memory_space<vmem>>, vector<1x16xf32>,
    %swap3A_739 = vector.shape_cast %swap3A_738 : vector<1x16xf32> to vector<16xf32>
    %swap3A_740 = vector.shape_cast %broadcast_in_dim3A_75 : vector<16xf32> to vector<1x16xf32>
    tpu.vector_store %arg8[%swap3A_736, %swap3A_737], %swap3A_740 {strides = array<i32>} : memref<16x128xf32, #tpu.memory_space<vmem>>, vector<1x16xf32>,
    %swap3A_741 = arith.constant 13 : i32
    %swap3A_742 = arith.index_cast %swap3A_741 : i32 to index
    %swap3A_743 = arith.constant 112 : index
    %swap3A_744 = tpu.vector_load %arg8[%swap3A_742, %swap3A_743] {strides = array<i32>} : memref<16x128xf32, #tpu.memory_space<vmem>>, vector<1x16xf32>,
    %swap3A_745 = vector.shape_cast %swap3A_744 : vector<1x16xf32> to vector<16xf32>
    %swap3A_746 = vector.shape_cast %broadcast_in_dim3A_75 : vector<16xf32> to vector<1x16xf32>
    tpu.vector_store %arg8[%swap3A_742, %swap3A_743], %swap3A_746 {strides = array<i32>} : memref<16x128xf32, #tpu.memory_space<vmem>>, vector<1x16xf32>,
    %swap3A_747 = arith.constant 14 : i32
    %swap3A_748 = arith.index_cast %swap3A_747 : i32 to index
    %swap3A_749 = arith.constant 0 : index
    %swap3A_750 = tpu.vector_load %arg8[%swap3A_748, %swap3A_749] {strides = array<i32>} : memref<16x128xf32, #tpu.memory_space<vmem>>, vector<1x16xf32>,
    %swap3A_751 = vector.shape_cast %swap3A_750 : vector<1x16xf32> to vector<16xf32>
    %swap3A_752 = vector.shape_cast %broadcast_in_dim3A_75 : vector<16xf32> to vector<1x16xf32>
    tpu.vector_store %arg8[%swap3A_748, %swap3A_749], %swap3A_752 {strides = array<i32>} : memref<16x128xf32, #tpu.memory_space<vmem>>, vector<1x16xf32>,
    %swap3A_753 = arith.constant 14 : i32
    %swap3A_754 = arith.index_cast %swap3A_753 : i32 to index
    %swap3A_755 = arith.constant 16 : index
    %swap3A_756 = tpu.vector_load %arg8[%swap3A_754, %swap3A_755] {strides = array<i32>} : memref<16x128xf32, #tpu.memory_space<vmem>>, vector<1x16xf32>,
    %swap3A_757 = vector.shape_cast %swap3A_756 : vector<1x16xf32> to vector<16xf32>
    %swap3A_758 = vector.shape_cast %broadcast_in_dim3A_75 : vector<16xf32> to vector<1x16xf32>
    tpu.vector_store %arg8[%swap3A_754, %swap3A_755], %swap3A_758 {strides = array<i32>} : memref<16x128xf32, #tpu.memory_space<vmem>>, vector<1x16xf32>,
    %swap3A_759 = arith.constant 14 : i32
    %swap3A_760 = arith.index_cast %swap3A_759 : i32 to index
    %swap3A_761 = arith.constant 32 : index
    %swap3A_762 = tpu.vector_load %arg8[%swap3A_760, %swap3A_761] {strides = array<i32>} : memref<16x128xf32, #tpu.memory_space<vmem>>, vector<1x16xf32>,
    %swap3A_763 = vector.shape_cast %swap3A_762 : vector<1x16xf32> to vector<16xf32>
    %swap3A_764 = vector.shape_cast %broadcast_in_dim3A_75 : vector<16xf32> to vector<1x16xf32>
    tpu.vector_store %arg8[%swap3A_760, %swap3A_761], %swap3A_764 {strides = array<i32>} : memref<16x128xf32, #tpu.memory_space<vmem>>, vector<1x16xf32>,
    %swap3A_765 = arith.constant 14 : i32
    %swap3A_766 = arith.index_cast %swap3A_765 : i32 to index
    %swap3A_767 = arith.constant 48 : index
    %swap3A_768 = tpu.vector_load %arg8[%swap3A_766, %swap3A_767] {strides = array<i32>} : memref<16x128xf32, #tpu.memory_space<vmem>>, vector<1x16xf32>,
    %swap3A_769 = vector.shape_cast %swap3A_768 : vector<1x16xf32> to vector<16xf32>
    %swap3A_770 = vector.shape_cast %broadcast_in_dim3A_75 : vector<16xf32> to vector<1x16xf32>
    tpu.vector_store %arg8[%swap3A_766, %swap3A_767], %swap3A_770 {strides = array<i32>} : memref<16x128xf32, #tpu.memory_space<vmem>>, vector<1x16xf32>,
    %swap3A_771 = arith.constant 14 : i32
    %swap3A_772 = arith.index_cast %swap3A_771 : i32 to index
    %swap3A_773 = arith.constant 64 : index
    %swap3A_774 = tpu.vector_load %arg8[%swap3A_772, %swap3A_773] {strides = array<i32>} : memref<16x128xf32, #tpu.memory_space<vmem>>, vector<1x16xf32>,
    %swap3A_775 = vector.shape_cast %swap3A_774 : vector<1x16xf32> to vector<16xf32>
    %swap3A_776 = vector.shape_cast %broadcast_in_dim3A_75 : vector<16xf32> to vector<1x16xf32>
    tpu.vector_store %arg8[%swap3A_772, %swap3A_773], %swap3A_776 {strides = array<i32>} : memref<16x128xf32, #tpu.memory_space<vmem>>, vector<1x16xf32>,
    %swap3A_777 = arith.constant 14 : i32
    %swap3A_778 = arith.index_cast %swap3A_777 : i32 to index
    %swap3A_779 = arith.constant 80 : index
    %swap3A_780 = tpu.vector_load %arg8[%swap3A_778, %swap3A_779] {strides = array<i32>} : memref<16x128xf32, #tpu.memory_space<vmem>>, vector<1x16xf32>,
    %swap3A_781 = vector.shape_cast %swap3A_780 : vector<1x16xf32> to vector<16xf32>
    %swap3A_782 = vector.shape_cast %broadcast_in_dim3A_75 : vector<16xf32> to vector<1x16xf32>
    tpu.vector_store %arg8[%swap3A_778, %swap3A_779], %swap3A_782 {strides = array<i32>} : memref<16x128xf32, #tpu.memory_space<vmem>>, vector<1x16xf32>,
    %swap3A_783 = arith.constant 14 : i32
    %swap3A_784 = arith.index_cast %swap3A_783 : i32 to index
    %swap3A_785 = arith.constant 96 : index
    %swap3A_786 = tpu.vector_load %arg8[%swap3A_784, %swap3A_785] {strides = array<i32>} : memref<16x128xf32, #tpu.memory_space<vmem>>, vector<1x16xf32>,
    %swap3A_787 = vector.shape_cast %swap3A_786 : vector<1x16xf32> to vector<16xf32>
    %swap3A_788 = vector.shape_cast %broadcast_in_dim3A_75 : vector<16xf32> to vector<1x16xf32>
    tpu.vector_store %arg8[%swap3A_784, %swap3A_785], %swap3A_788 {strides = array<i32>} : memref<16x128xf32, #tpu.memory_space<vmem>>, vector<1x16xf32>,
    %swap3A_789 = arith.constant 14 : i32
    %swap3A_790 = arith.index_cast %swap3A_789 : i32 to index
    %swap3A_791 = arith.constant 112 : index
    %swap3A_792 = tpu.vector_load %arg8[%swap3A_790, %swap3A_791] {strides = array<i32>} : memref<16x128xf32, #tpu.memory_space<vmem>>, vector<1x16xf32>,
    %swap3A_793 = vector.shape_cast %swap3A_792 : vector<1x16xf32> to vector<16xf32>
    %swap3A_794 = vector.shape_cast %broadcast_in_dim3A_75 : vector<16xf32> to vector<1x16xf32>
    tpu.vector_store %arg8[%swap3A_790, %swap3A_791], %swap3A_794 {strides = array<i32>} : memref<16x128xf32, #tpu.memory_space<vmem>>, vector<1x16xf32>,
    %swap3A_795 = arith.constant 15 : i32
    %swap3A_796 = arith.index_cast %swap3A_795 : i32 to index
    %swap3A_797 = arith.constant 0 : index
    %swap3A_798 = tpu.vector_load %arg8[%swap3A_796, %swap3A_797] {strides = array<i32>} : memref<16x128xf32, #tpu.memory_space<vmem>>, vector<1x16xf32>,
    %swap3A_799 = vector.shape_cast %swap3A_798 : vector<1x16xf32> to vector<16xf32>
    %swap3A_800 = vector.shape_cast %broadcast_in_dim3A_75 : vector<16xf32> to vector<1x16xf32>
    tpu.vector_store %arg8[%swap3A_796, %swap3A_797], %swap3A_800 {strides = array<i32>} : memref<16x128xf32, #tpu.memory_space<vmem>>, vector<1x16xf32>,
    %swap3A_801 = arith.constant 15 : i32
    %swap3A_802 = arith.index_cast %swap3A_801 : i32 to index
    %swap3A_803 = arith.constant 16 : index
    %swap3A_804 = tpu.vector_load %arg8[%swap3A_802, %swap3A_803] {strides = array<i32>} : memref<16x128xf32, #tpu.memory_space<vmem>>, vector<1x16xf32>,
    %swap3A_805 = vector.shape_cast %swap3A_804 : vector<1x16xf32> to vector<16xf32>
    %swap3A_806 = vector.shape_cast %broadcast_in_dim3A_75 : vector<16xf32> to vector<1x16xf32>
    tpu.vector_store %arg8[%swap3A_802, %swap3A_803], %swap3A_806 {strides = array<i32>} : memref<16x128xf32, #tpu.memory_space<vmem>>, vector<1x16xf32>,
    %swap3A_807 = arith.constant 15 : i32
    %swap3A_808 = arith.index_cast %swap3A_807 : i32 to index
    %swap3A_809 = arith.constant 32 : index
    %swap3A_810 = tpu.vector_load %arg8[%swap3A_808, %swap3A_809] {strides = array<i32>} : memref<16x128xf32, #tpu.memory_space<vmem>>, vector<1x16xf32>,
    %swap3A_811 = vector.shape_cast %swap3A_810 : vector<1x16xf32> to vector<16xf32>
    %swap3A_812 = vector.shape_cast %broadcast_in_dim3A_75 : vector<16xf32> to vector<1x16xf32>
    tpu.vector_store %arg8[%swap3A_808, %swap3A_809], %swap3A_812 {strides = array<i32>} : memref<16x128xf32, #tpu.memory_space<vmem>>, vector<1x16xf32>,
    %swap3A_813 = arith.constant 15 : i32
    %swap3A_814 = arith.index_cast %swap3A_813 : i32 to index
    %swap3A_815 = arith.constant 48 : index
    %swap3A_816 = tpu.vector_load %arg8[%swap3A_814, %swap3A_815] {strides = array<i32>} : memref<16x128xf32, #tpu.memory_space<vmem>>, vector<1x16xf32>,
    %swap3A_817 = vector.shape_cast %swap3A_816 : vector<1x16xf32> to vector<16xf32>
    %swap3A_818 = vector.shape_cast %broadcast_in_dim3A_75 : vector<16xf32> to vector<1x16xf32>
    tpu.vector_store %arg8[%swap3A_814, %swap3A_815], %swap3A_818 {strides = array<i32>} : memref<16x128xf32, #tpu.memory_space<vmem>>, vector<1x16xf32>,
    %swap3A_819 = arith.constant 15 : i32
    %swap3A_820 = arith.index_cast %swap3A_819 : i32 to index
    %swap3A_821 = arith.constant 64 : index
    %swap3A_822 = tpu.vector_load %arg8[%swap3A_820, %swap3A_821] {strides = array<i32>} : memref<16x128xf32, #tpu.memory_space<vmem>>, vector<1x16xf32>,
    %swap3A_823 = vector.shape_cast %swap3A_822 : vector<1x16xf32> to vector<16xf32>
    %swap3A_824 = vector.shape_cast %broadcast_in_dim3A_75 : vector<16xf32> to vector<1x16xf32>
    tpu.vector_store %arg8[%swap3A_820, %swap3A_821], %swap3A_824 {strides = array<i32>} : memref<16x128xf32, #tpu.memory_space<vmem>>, vector<1x16xf32>,
    %swap3A_825 = arith.constant 15 : i32
    %swap3A_826 = arith.index_cast %swap3A_825 : i32 to index
    %swap3A_827 = arith.constant 80 : index
    %swap3A_828 = tpu.vector_load %arg8[%swap3A_826, %swap3A_827] {strides = array<i32>} : memref<16x128xf32, #tpu.memory_space<vmem>>, vector<1x16xf32>,
    %swap3A_829 = vector.shape_cast %swap3A_828 : vector<1x16xf32> to vector<16xf32>
    %swap3A_830 = vector.shape_cast %broadcast_in_dim3A_75 : vector<16xf32> to vector<1x16xf32>
    tpu.vector_store %arg8[%swap3A_826, %swap3A_827], %swap3A_830 {strides = array<i32>} : memref<16x128xf32, #tpu.memory_space<vmem>>, vector<1x16xf32>,
    %swap3A_831 = arith.constant 15 : i32
    %swap3A_832 = arith.index_cast %swap3A_831 : i32 to index
    %swap3A_833 = arith.constant 96 : index
    %swap3A_834 = tpu.vector_load %arg8[%swap3A_832, %swap3A_833] {strides = array<i32>} : memref<16x128xf32, #tpu.memory_space<vmem>>, vector<1x16xf32>,
    %swap3A_835 = vector.shape_cast %swap3A_834 : vector<1x16xf32> to vector<16xf32>
    %swap3A_836 = vector.shape_cast %broadcast_in_dim3A_75 : vector<16xf32> to vector<1x16xf32>
    tpu.vector_store %arg8[%swap3A_832, %swap3A_833], %swap3A_836 {strides = array<i32>} : memref<16x128xf32, #tpu.memory_space<vmem>>, vector<1x16xf32>,
    %swap3A_837 = arith.constant 15 : i32
    %swap3A_838 = arith.index_cast %swap3A_837 : i32 to index
    %swap3A_839 = arith.constant 112 : index
    %swap3A_840 = tpu.vector_load %arg8[%swap3A_838, %swap3A_839] {strides = array<i32>} : memref<16x128xf32, #tpu.memory_space<vmem>>, vector<1x16xf32>,
    %swap3A_841 = vector.shape_cast %swap3A_840 : vector<1x16xf32> to vector<16xf32>
    %swap3A_842 = vector.shape_cast %broadcast_in_dim3A_75 : vector<16xf32> to vector<1x16xf32>
    tpu.vector_store %arg8[%swap3A_838, %swap3A_839], %swap3A_842 {strides = array<i32>} : memref<16x128xf32, #tpu.memory_space<vmem>>, vector<1x16xf32>,
    %mul3A_843 = arith.constant 16 : i32
    %mul3A_844 = arith.muli %arg1, %mul3A_843 : i32
    "tpu.region"() ({
      %run_scoped3A = tpu.sem_alloc : memref<!tpu.dma_semaphore, #tpu.memory_space<semaphore_mem>>
      %dma_start3A_1291 = arith.constant 0 : i32
      %dma_start3A_1292 = tpu.memref_slice %arg9[%mul3A_844, %dma_start3A_1291] : memref<256x128xf32, #tpu.memory_space<vmem_shared>> -> memref<16x128xf32, #tpu.memory_space<vmem_shared>>
      %dma_start3A_1293 = arith.constant 0 : i32
      %dma_start3A_1294 = tpu.memref_slice %arg9[%mul3A_844, %dma_start3A_1293] : memref<256x128xf32, #tpu.memory_space<vmem_shared>> -> memref<16x128xf32, #tpu.memory_space<vmem_shared>>
      tpu.enqueue_dma source(%arg8 : memref<16x128xf32, #tpu.memory_space<vmem>>) target(%dma_start3A_1294 : memref<16x128xf32, #tpu.memory_space<vmem_shared>>) target_semaphore(%run_scoped3A : memref<!tpu.dma_semaphore, #tpu.memory_space<semaphore_mem>>)
      %dma_wait3A_1295 = arith.constant 0 : i32
      %dma_wait3A_1296 = tpu.memref_slice %arg9[%mul3A_844, %dma_wait3A_1295] : memref<256x128xf32, #tpu.memory_space<vmem_shared>> -> memref<16x128xf32, #tpu.memory_space<vmem_shared>>
      %dma_wait3A_1297 = arith.constant 0 : i32
      %dma_wait3A_1298 = tpu.memref_slice %arg9[%mul3A_844, %dma_wait3A_1297] : memref<256x128xf32, #tpu.memory_space<vmem_shared>> -> memref<16x128xf32, #tpu.memory_space<vmem_shared>>
      tpu.wait_dma2 semaphore(%run_scoped3A : memref<!tpu.dma_semaphore, #tpu.memory_space<semaphore_mem>>) src(%arg8 : memref<16x128xf32, #tpu.memory_space<vmem>>) dst(%dma_wait3A_1298 : memref<16x128xf32, #tpu.memory_space<vmem_shared>>)
      tpu.yield
    }) : () -> ()
    %dma_wait3A = tpu.memref_slice %arg3[%mul3A_25] : memref<4096xi32, #tpu.memory_space<hbm>> -> memref<512xi32, #tpu.memory_space<hbm>>
    %dma_wait3A_845 = tpu.memref_slice %arg3[%mul3A_25] : memref<4096xi32, #tpu.memory_space<hbm>> -> memref<512xi32, #tpu.memory_space<hbm>>
    tpu.wait_dma2 semaphore(%arg10 : memref<!tpu.dma_semaphore, #tpu.memory_space<semaphore_mem>>) src(%dma_wait3A_845 : memref<512xi32, #tpu.memory_space<hbm>>) dst(%arg6 : memref<512xi32, #tpu.memory_space<vmem>>)
    %mul3A_846 = arith.constant 64 : i32
    %mul3A_847 = arith.muli %select_n3A, %mul3A_846 : i32
    %broadcast_in_dim3A_848 = vector.broadcast %mul3A_847 : i32 to vector<16xi32>
    %get3A = arith.constant 0 : index
    %get3A_849 = tpu.vector_load %arg6[%get3A] {strides = array<i32>} : memref<512xi32, #tpu.memory_space<vmem>>, vector<16xi32>,
    %get3A_850 = vector.shape_cast %get3A_849 : vector<16xi32> to vector<16xi32>
    %add3A_851 = arith.addi %get3A_850, %broadcast_in_dim3A_848 : vector<16xi32>
    %swap3A_852 = arith.constant 0 : i32
    %swap3A_853 = arith.index_cast %swap3A_852 : i32 to index
    %swap3A_854 = arith.constant 0 : index
    %swap3A_855 = tpu.vector_load %arg7[%swap3A_853, %swap3A_854] {strides = array<i32>} : memref<4x128xi32, #tpu.memory_space<vmem>>, vector<1x16xi32>,
    %swap3A_856 = vector.shape_cast %swap3A_855 : vector<1x16xi32> to vector<16xi32>
    %swap3A_857 = vector.shape_cast %add3A_851 : vector<16xi32> to vector<1x16xi32>
    tpu.vector_store %arg7[%swap3A_853, %swap3A_854], %swap3A_857 {strides = array<i32>} : memref<4x128xi32, #tpu.memory_space<vmem>>, vector<1x16xi32>,
    %get3A_858 = arith.constant 16 : index
    %get3A_859 = tpu.vector_load %arg6[%get3A_858] {strides = array<i32>} : memref<512xi32, #tpu.memory_space<vmem>>, vector<16xi32>,
    %get3A_860 = vector.shape_cast %get3A_859 : vector<16xi32> to vector<16xi32>
    %add3A_861 = arith.addi %get3A_860, %broadcast_in_dim3A_848 : vector<16xi32>
    %swap3A_862 = arith.constant 0 : i32
    %swap3A_863 = arith.index_cast %swap3A_862 : i32 to index
    %swap3A_864 = arith.constant 16 : index
    %swap3A_865 = tpu.vector_load %arg7[%swap3A_863, %swap3A_864] {strides = array<i32>} : memref<4x128xi32, #tpu.memory_space<vmem>>, vector<1x16xi32>,
    %swap3A_866 = vector.shape_cast %swap3A_865 : vector<1x16xi32> to vector<16xi32>
    %swap3A_867 = vector.shape_cast %add3A_861 : vector<16xi32> to vector<1x16xi32>
    tpu.vector_store %arg7[%swap3A_863, %swap3A_864], %swap3A_867 {strides = array<i32>} : memref<4x128xi32, #tpu.memory_space<vmem>>, vector<1x16xi32>,
    %get3A_868 = arith.constant 32 : index
    %get3A_869 = tpu.vector_load %arg6[%get3A_868] {strides = array<i32>} : memref<512xi32, #tpu.memory_space<vmem>>, vector<16xi32>,
    %get3A_870 = vector.shape_cast %get3A_869 : vector<16xi32> to vector<16xi32>
    %add3A_871 = arith.addi %get3A_870, %broadcast_in_dim3A_848 : vector<16xi32>
    %swap3A_872 = arith.constant 0 : i32
    %swap3A_873 = arith.index_cast %swap3A_872 : i32 to index
    %swap3A_874 = arith.constant 32 : index
    %swap3A_875 = tpu.vector_load %arg7[%swap3A_873, %swap3A_874] {strides = array<i32>} : memref<4x128xi32, #tpu.memory_space<vmem>>, vector<1x16xi32>,
    %swap3A_876 = vector.shape_cast %swap3A_875 : vector<1x16xi32> to vector<16xi32>
    %swap3A_877 = vector.shape_cast %add3A_871 : vector<16xi32> to vector<1x16xi32>
    tpu.vector_store %arg7[%swap3A_873, %swap3A_874], %swap3A_877 {strides = array<i32>} : memref<4x128xi32, #tpu.memory_space<vmem>>, vector<1x16xi32>,
    %get3A_878 = arith.constant 48 : index
    %get3A_879 = tpu.vector_load %arg6[%get3A_878] {strides = array<i32>} : memref<512xi32, #tpu.memory_space<vmem>>, vector<16xi32>,
    %get3A_880 = vector.shape_cast %get3A_879 : vector<16xi32> to vector<16xi32>
    %add3A_881 = arith.addi %get3A_880, %broadcast_in_dim3A_848 : vector<16xi32>
    %swap3A_882 = arith.constant 0 : i32
    %swap3A_883 = arith.index_cast %swap3A_882 : i32 to index
    %swap3A_884 = arith.constant 48 : index
    %swap3A_885 = tpu.vector_load %arg7[%swap3A_883, %swap3A_884] {strides = array<i32>} : memref<4x128xi32, #tpu.memory_space<vmem>>, vector<1x16xi32>,
    %swap3A_886 = vector.shape_cast %swap3A_885 : vector<1x16xi32> to vector<16xi32>
    %swap3A_887 = vector.shape_cast %add3A_881 : vector<16xi32> to vector<1x16xi32>
    tpu.vector_store %arg7[%swap3A_883, %swap3A_884], %swap3A_887 {strides = array<i32>} : memref<4x128xi32, #tpu.memory_space<vmem>>, vector<1x16xi32>,
    %get3A_888 = arith.constant 64 : index
    %get3A_889 = tpu.vector_load %arg6[%get3A_888] {strides = array<i32>} : memref<512xi32, #tpu.memory_space<vmem>>, vector<16xi32>,
    %get3A_890 = vector.shape_cast %get3A_889 : vector<16xi32> to vector<16xi32>
    %add3A_891 = arith.addi %get3A_890, %broadcast_in_dim3A_848 : vector<16xi32>
    %swap3A_892 = arith.constant 0 : i32
    %swap3A_893 = arith.index_cast %swap3A_892 : i32 to index
    %swap3A_894 = arith.constant 64 : index
    %swap3A_895 = tpu.vector_load %arg7[%swap3A_893, %swap3A_894] {strides = array<i32>} : memref<4x128xi32, #tpu.memory_space<vmem>>, vector<1x16xi32>,
    %swap3A_896 = vector.shape_cast %swap3A_895 : vector<1x16xi32> to vector<16xi32>
    %swap3A_897 = vector.shape_cast %add3A_891 : vector<16xi32> to vector<1x16xi32>
    tpu.vector_store %arg7[%swap3A_893, %swap3A_894], %swap3A_897 {strides = array<i32>} : memref<4x128xi32, #tpu.memory_space<vmem>>, vector<1x16xi32>,
    %get3A_898 = arith.constant 80 : index
    %get3A_899 = tpu.vector_load %arg6[%get3A_898] {strides = array<i32>} : memref<512xi32, #tpu.memory_space<vmem>>, vector<16xi32>,
    %get3A_900 = vector.shape_cast %get3A_899 : vector<16xi32> to vector<16xi32>
    %add3A_901 = arith.addi %get3A_900, %broadcast_in_dim3A_848 : vector<16xi32>
    %swap3A_902 = arith.constant 0 : i32
    %swap3A_903 = arith.index_cast %swap3A_902 : i32 to index
    %swap3A_904 = arith.constant 80 : index
    %swap3A_905 = tpu.vector_load %arg7[%swap3A_903, %swap3A_904] {strides = array<i32>} : memref<4x128xi32, #tpu.memory_space<vmem>>, vector<1x16xi32>,
    %swap3A_906 = vector.shape_cast %swap3A_905 : vector<1x16xi32> to vector<16xi32>
    %swap3A_907 = vector.shape_cast %add3A_901 : vector<16xi32> to vector<1x16xi32>
    tpu.vector_store %arg7[%swap3A_903, %swap3A_904], %swap3A_907 {strides = array<i32>} : memref<4x128xi32, #tpu.memory_space<vmem>>, vector<1x16xi32>,
    %get3A_908 = arith.constant 96 : index
    %get3A_909 = tpu.vector_load %arg6[%get3A_908] {strides = array<i32>} : memref<512xi32, #tpu.memory_space<vmem>>, vector<16xi32>,
    %get3A_910 = vector.shape_cast %get3A_909 : vector<16xi32> to vector<16xi32>
    %add3A_911 = arith.addi %get3A_910, %broadcast_in_dim3A_848 : vector<16xi32>
    %swap3A_912 = arith.constant 0 : i32
    %swap3A_913 = arith.index_cast %swap3A_912 : i32 to index
    %swap3A_914 = arith.constant 96 : index
    %swap3A_915 = tpu.vector_load %arg7[%swap3A_913, %swap3A_914] {strides = array<i32>} : memref<4x128xi32, #tpu.memory_space<vmem>>, vector<1x16xi32>,
    %swap3A_916 = vector.shape_cast %swap3A_915 : vector<1x16xi32> to vector<16xi32>
    %swap3A_917 = vector.shape_cast %add3A_911 : vector<16xi32> to vector<1x16xi32>
    tpu.vector_store %arg7[%swap3A_913, %swap3A_914], %swap3A_917 {strides = array<i32>} : memref<4x128xi32, #tpu.memory_space<vmem>>, vector<1x16xi32>,
    %get3A_918 = arith.constant 112 : index
    %get3A_919 = tpu.vector_load %arg6[%get3A_918] {strides = array<i32>} : memref<512xi32, #tpu.memory_space<vmem>>, vector<16xi32>,
    %get3A_920 = vector.shape_cast %get3A_919 : vector<16xi32> to vector<16xi32>
    %add3A_921 = arith.addi %get3A_920, %broadcast_in_dim3A_848 : vector<16xi32>
    %swap3A_922 = arith.constant 0 : i32
    %swap3A_923 = arith.index_cast %swap3A_922 : i32 to index
    %swap3A_924 = arith.constant 112 : index
    %swap3A_925 = tpu.vector_load %arg7[%swap3A_923, %swap3A_924] {strides = array<i32>} : memref<4x128xi32, #tpu.memory_space<vmem>>, vector<1x16xi32>,
    %swap3A_926 = vector.shape_cast %swap3A_925 : vector<1x16xi32> to vector<16xi32>
    %swap3A_927 = vector.shape_cast %add3A_921 : vector<16xi32> to vector<1x16xi32>
    tpu.vector_store %arg7[%swap3A_923, %swap3A_924], %swap3A_927 {strides = array<i32>} : memref<4x128xi32, #tpu.memory_space<vmem>>, vector<1x16xi32>,
    %get3A_928 = arith.constant 128 : index
    %get3A_929 = tpu.vector_load %arg6[%get3A_928] {strides = array<i32>} : memref<512xi32, #tpu.memory_space<vmem>>, vector<16xi32>,
    %get3A_930 = vector.shape_cast %get3A_929 : vector<16xi32> to vector<16xi32>
    %add3A_931 = arith.addi %get3A_930, %broadcast_in_dim3A_848 : vector<16xi32>
    %swap3A_932 = arith.constant 1 : i32
    %swap3A_933 = arith.index_cast %swap3A_932 : i32 to index
    %swap3A_934 = arith.constant 0 : index
    %swap3A_935 = tpu.vector_load %arg7[%swap3A_933, %swap3A_934] {strides = array<i32>} : memref<4x128xi32, #tpu.memory_space<vmem>>, vector<1x16xi32>,
    %swap3A_936 = vector.shape_cast %swap3A_935 : vector<1x16xi32> to vector<16xi32>
    %swap3A_937 = vector.shape_cast %add3A_931 : vector<16xi32> to vector<1x16xi32>
    tpu.vector_store %arg7[%swap3A_933, %swap3A_934], %swap3A_937 {strides = array<i32>} : memref<4x128xi32, #tpu.memory_space<vmem>>, vector<1x16xi32>,
    %get3A_938 = arith.constant 144 : index
    %get3A_939 = tpu.vector_load %arg6[%get3A_938] {strides = array<i32>} : memref<512xi32, #tpu.memory_space<vmem>>, vector<16xi32>,
    %get3A_940 = vector.shape_cast %get3A_939 : vector<16xi32> to vector<16xi32>
    %add3A_941 = arith.addi %get3A_940, %broadcast_in_dim3A_848 : vector<16xi32>
    %swap3A_942 = arith.constant 1 : i32
    %swap3A_943 = arith.index_cast %swap3A_942 : i32 to index
    %swap3A_944 = arith.constant 16 : index
    %swap3A_945 = tpu.vector_load %arg7[%swap3A_943, %swap3A_944] {strides = array<i32>} : memref<4x128xi32, #tpu.memory_space<vmem>>, vector<1x16xi32>,
    %swap3A_946 = vector.shape_cast %swap3A_945 : vector<1x16xi32> to vector<16xi32>
    %swap3A_947 = vector.shape_cast %add3A_941 : vector<16xi32> to vector<1x16xi32>
    tpu.vector_store %arg7[%swap3A_943, %swap3A_944], %swap3A_947 {strides = array<i32>} : memref<4x128xi32, #tpu.memory_space<vmem>>, vector<1x16xi32>,
    %get3A_948 = arith.constant 160 : index
    %get3A_949 = tpu.vector_load %arg6[%get3A_948] {strides = array<i32>} : memref<512xi32, #tpu.memory_space<vmem>>, vector<16xi32>,
    %get3A_950 = vector.shape_cast %get3A_949 : vector<16xi32> to vector<16xi32>
    %add3A_951 = arith.addi %get3A_950, %broadcast_in_dim3A_848 : vector<16xi32>
    %swap3A_952 = arith.constant 1 : i32
    %swap3A_953 = arith.index_cast %swap3A_952 : i32 to index
    %swap3A_954 = arith.constant 32 : index
    %swap3A_955 = tpu.vector_load %arg7[%swap3A_953, %swap3A_954] {strides = array<i32>} : memref<4x128xi32, #tpu.memory_space<vmem>>, vector<1x16xi32>,
    %swap3A_956 = vector.shape_cast %swap3A_955 : vector<1x16xi32> to vector<16xi32>
    %swap3A_957 = vector.shape_cast %add3A_951 : vector<16xi32> to vector<1x16xi32>
    tpu.vector_store %arg7[%swap3A_953, %swap3A_954], %swap3A_957 {strides = array<i32>} : memref<4x128xi32, #tpu.memory_space<vmem>>, vector<1x16xi32>,
    %get3A_958 = arith.constant 176 : index
    %get3A_959 = tpu.vector_load %arg6[%get3A_958] {strides = array<i32>} : memref<512xi32, #tpu.memory_space<vmem>>, vector<16xi32>,
    %get3A_960 = vector.shape_cast %get3A_959 : vector<16xi32> to vector<16xi32>
    %add3A_961 = arith.addi %get3A_960, %broadcast_in_dim3A_848 : vector<16xi32>
    %swap3A_962 = arith.constant 1 : i32
    %swap3A_963 = arith.index_cast %swap3A_962 : i32 to index
    %swap3A_964 = arith.constant 48 : index
    %swap3A_965 = tpu.vector_load %arg7[%swap3A_963, %swap3A_964] {strides = array<i32>} : memref<4x128xi32, #tpu.memory_space<vmem>>, vector<1x16xi32>,
    %swap3A_966 = vector.shape_cast %swap3A_965 : vector<1x16xi32> to vector<16xi32>
    %swap3A_967 = vector.shape_cast %add3A_961 : vector<16xi32> to vector<1x16xi32>
    tpu.vector_store %arg7[%swap3A_963, %swap3A_964], %swap3A_967 {strides = array<i32>} : memref<4x128xi32, #tpu.memory_space<vmem>>, vector<1x16xi32>,
    %get3A_968 = arith.constant 192 : index
    %get3A_969 = tpu.vector_load %arg6[%get3A_968] {strides = array<i32>} : memref<512xi32, #tpu.memory_space<vmem>>, vector<16xi32>,
    %get3A_970 = vector.shape_cast %get3A_969 : vector<16xi32> to vector<16xi32>
    %add3A_971 = arith.addi %get3A_970, %broadcast_in_dim3A_848 : vector<16xi32>
    %swap3A_972 = arith.constant 1 : i32
    %swap3A_973 = arith.index_cast %swap3A_972 : i32 to index
    %swap3A_974 = arith.constant 64 : index
    %swap3A_975 = tpu.vector_load %arg7[%swap3A_973, %swap3A_974] {strides = array<i32>} : memref<4x128xi32, #tpu.memory_space<vmem>>, vector<1x16xi32>,
    %swap3A_976 = vector.shape_cast %swap3A_975 : vector<1x16xi32> to vector<16xi32>
    %swap3A_977 = vector.shape_cast %add3A_971 : vector<16xi32> to vector<1x16xi32>
    tpu.vector_store %arg7[%swap3A_973, %swap3A_974], %swap3A_977 {strides = array<i32>} : memref<4x128xi32, #tpu.memory_space<vmem>>, vector<1x16xi32>,
    %get3A_978 = arith.constant 208 : index
    %get3A_979 = tpu.vector_load %arg6[%get3A_978] {strides = array<i32>} : memref<512xi32, #tpu.memory_space<vmem>>, vector<16xi32>,
    %get3A_980 = vector.shape_cast %get3A_979 : vector<16xi32> to vector<16xi32>
    %add3A_981 = arith.addi %get3A_980, %broadcast_in_dim3A_848 : vector<16xi32>
    %swap3A_982 = arith.constant 1 : i32
    %swap3A_983 = arith.index_cast %swap3A_982 : i32 to index
    %swap3A_984 = arith.constant 80 : index
    %swap3A_985 = tpu.vector_load %arg7[%swap3A_983, %swap3A_984] {strides = array<i32>} : memref<4x128xi32, #tpu.memory_space<vmem>>, vector<1x16xi32>,
    %swap3A_986 = vector.shape_cast %swap3A_985 : vector<1x16xi32> to vector<16xi32>
    %swap3A_987 = vector.shape_cast %add3A_981 : vector<16xi32> to vector<1x16xi32>
    tpu.vector_store %arg7[%swap3A_983, %swap3A_984], %swap3A_987 {strides = array<i32>} : memref<4x128xi32, #tpu.memory_space<vmem>>, vector<1x16xi32>,
    %get3A_988 = arith.constant 224 : index
    %get3A_989 = tpu.vector_load %arg6[%get3A_988] {strides = array<i32>} : memref<512xi32, #tpu.memory_space<vmem>>, vector<16xi32>,
    %get3A_990 = vector.shape_cast %get3A_989 : vector<16xi32> to vector<16xi32>
    %add3A_991 = arith.addi %get3A_990, %broadcast_in_dim3A_848 : vector<16xi32>
    %swap3A_992 = arith.constant 1 : i32
    %swap3A_993 = arith.index_cast %swap3A_992 : i32 to index
    %swap3A_994 = arith.constant 96 : index
    %swap3A_995 = tpu.vector_load %arg7[%swap3A_993, %swap3A_994] {strides = array<i32>} : memref<4x128xi32, #tpu.memory_space<vmem>>, vector<1x16xi32>,
    %swap3A_996 = vector.shape_cast %swap3A_995 : vector<1x16xi32> to vector<16xi32>
    %swap3A_997 = vector.shape_cast %add3A_991 : vector<16xi32> to vector<1x16xi32>
    tpu.vector_store %arg7[%swap3A_993, %swap3A_994], %swap3A_997 {strides = array<i32>} : memref<4x128xi32, #tpu.memory_space<vmem>>, vector<1x16xi32>,
    %get3A_998 = arith.constant 240 : index
    %get3A_999 = tpu.vector_load %arg6[%get3A_998] {strides = array<i32>} : memref<512xi32, #tpu.memory_space<vmem>>, vector<16xi32>,
    %get3A_1000 = vector.shape_cast %get3A_999 : vector<16xi32> to vector<16xi32>
    %add3A_1001 = arith.addi %get3A_1000, %broadcast_in_dim3A_848 : vector<16xi32>
    %swap3A_1002 = arith.constant 1 : i32
    %swap3A_1003 = arith.index_cast %swap3A_1002 : i32 to index
    %swap3A_1004 = arith.constant 112 : index
    %swap3A_1005 = tpu.vector_load %arg7[%swap3A_1003, %swap3A_1004] {strides = array<i32>} : memref<4x128xi32, #tpu.memory_space<vmem>>, vector<1x16xi32>,
    %swap3A_1006 = vector.shape_cast %swap3A_1005 : vector<1x16xi32> to vector<16xi32>
    %swap3A_1007 = vector.shape_cast %add3A_1001 : vector<16xi32> to vector<1x16xi32>
    tpu.vector_store %arg7[%swap3A_1003, %swap3A_1004], %swap3A_1007 {strides = array<i32>} : memref<4x128xi32, #tpu.memory_space<vmem>>, vector<1x16xi32>,
    %get3A_1008 = arith.constant 256 : index
    %get3A_1009 = tpu.vector_load %arg6[%get3A_1008] {strides = array<i32>} : memref<512xi32, #tpu.memory_space<vmem>>, vector<16xi32>,
    %get3A_1010 = vector.shape_cast %get3A_1009 : vector<16xi32> to vector<16xi32>
    %add3A_1011 = arith.addi %get3A_1010, %broadcast_in_dim3A_848 : vector<16xi32>
    %swap3A_1012 = arith.constant 2 : i32
    %swap3A_1013 = arith.index_cast %swap3A_1012 : i32 to index
    %swap3A_1014 = arith.constant 0 : index
    %swap3A_1015 = tpu.vector_load %arg7[%swap3A_1013, %swap3A_1014] {strides = array<i32>} : memref<4x128xi32, #tpu.memory_space<vmem>>, vector<1x16xi32>,
    %swap3A_1016 = vector.shape_cast %swap3A_1015 : vector<1x16xi32> to vector<16xi32>
    %swap3A_1017 = vector.shape_cast %add3A_1011 : vector<16xi32> to vector<1x16xi32>
    tpu.vector_store %arg7[%swap3A_1013, %swap3A_1014], %swap3A_1017 {strides = array<i32>} : memref<4x128xi32, #tpu.memory_space<vmem>>, vector<1x16xi32>,
    %get3A_1018 = arith.constant 272 : index
    %get3A_1019 = tpu.vector_load %arg6[%get3A_1018] {strides = array<i32>} : memref<512xi32, #tpu.memory_space<vmem>>, vector<16xi32>,
    %get3A_1020 = vector.shape_cast %get3A_1019 : vector<16xi32> to vector<16xi32>
    %add3A_1021 = arith.addi %get3A_1020, %broadcast_in_dim3A_848 : vector<16xi32>
    %swap3A_1022 = arith.constant 2 : i32
    %swap3A_1023 = arith.index_cast %swap3A_1022 : i32 to index
    %swap3A_1024 = arith.constant 16 : index
    %swap3A_1025 = tpu.vector_load %arg7[%swap3A_1023, %swap3A_1024] {strides = array<i32>} : memref<4x128xi32, #tpu.memory_space<vmem>>, vector<1x16xi32>,
    %swap3A_1026 = vector.shape_cast %swap3A_1025 : vector<1x16xi32> to vector<16xi32>
    %swap3A_1027 = vector.shape_cast %add3A_1021 : vector<16xi32> to vector<1x16xi32>
    tpu.vector_store %arg7[%swap3A_1023, %swap3A_1024], %swap3A_1027 {strides = array<i32>} : memref<4x128xi32, #tpu.memory_space<vmem>>, vector<1x16xi32>,
    %get3A_1028 = arith.constant 288 : index
    %get3A_1029 = tpu.vector_load %arg6[%get3A_1028] {strides = array<i32>} : memref<512xi32, #tpu.memory_space<vmem>>, vector<16xi32>,
    %get3A_1030 = vector.shape_cast %get3A_1029 : vector<16xi32> to vector<16xi32>
    %add3A_1031 = arith.addi %get3A_1030, %broadcast_in_dim3A_848 : vector<16xi32>
    %swap3A_1032 = arith.constant 2 : i32
    %swap3A_1033 = arith.index_cast %swap3A_1032 : i32 to index
    %swap3A_1034 = arith.constant 32 : index
    %swap3A_1035 = tpu.vector_load %arg7[%swap3A_1033, %swap3A_1034] {strides = array<i32>} : memref<4x128xi32, #tpu.memory_space<vmem>>, vector<1x16xi32>,
    %swap3A_1036 = vector.shape_cast %swap3A_1035 : vector<1x16xi32> to vector<16xi32>
    %swap3A_1037 = vector.shape_cast %add3A_1031 : vector<16xi32> to vector<1x16xi32>
    tpu.vector_store %arg7[%swap3A_1033, %swap3A_1034], %swap3A_1037 {strides = array<i32>} : memref<4x128xi32, #tpu.memory_space<vmem>>, vector<1x16xi32>,
    %get3A_1038 = arith.constant 304 : index
    %get3A_1039 = tpu.vector_load %arg6[%get3A_1038] {strides = array<i32>} : memref<512xi32, #tpu.memory_space<vmem>>, vector<16xi32>,
    %get3A_1040 = vector.shape_cast %get3A_1039 : vector<16xi32> to vector<16xi32>
    %add3A_1041 = arith.addi %get3A_1040, %broadcast_in_dim3A_848 : vector<16xi32>
    %swap3A_1042 = arith.constant 2 : i32
    %swap3A_1043 = arith.index_cast %swap3A_1042 : i32 to index
    %swap3A_1044 = arith.constant 48 : index
    %swap3A_1045 = tpu.vector_load %arg7[%swap3A_1043, %swap3A_1044] {strides = array<i32>} : memref<4x128xi32, #tpu.memory_space<vmem>>, vector<1x16xi32>,
    %swap3A_1046 = vector.shape_cast %swap3A_1045 : vector<1x16xi32> to vector<16xi32>
    %swap3A_1047 = vector.shape_cast %add3A_1041 : vector<16xi32> to vector<1x16xi32>
    tpu.vector_store %arg7[%swap3A_1043, %swap3A_1044], %swap3A_1047 {strides = array<i32>} : memref<4x128xi32, #tpu.memory_space<vmem>>, vector<1x16xi32>,
    %get3A_1048 = arith.constant 320 : index
    %get3A_1049 = tpu.vector_load %arg6[%get3A_1048] {strides = array<i32>} : memref<512xi32, #tpu.memory_space<vmem>>, vector<16xi32>,
    %get3A_1050 = vector.shape_cast %get3A_1049 : vector<16xi32> to vector<16xi32>
    %add3A_1051 = arith.addi %get3A_1050, %broadcast_in_dim3A_848 : vector<16xi32>
    %swap3A_1052 = arith.constant 2 : i32
    %swap3A_1053 = arith.index_cast %swap3A_1052 : i32 to index
    %swap3A_1054 = arith.constant 64 : index
    %swap3A_1055 = tpu.vector_load %arg7[%swap3A_1053, %swap3A_1054] {strides = array<i32>} : memref<4x128xi32, #tpu.memory_space<vmem>>, vector<1x16xi32>,
    %swap3A_1056 = vector.shape_cast %swap3A_1055 : vector<1x16xi32> to vector<16xi32>
    %swap3A_1057 = vector.shape_cast %add3A_1051 : vector<16xi32> to vector<1x16xi32>
    tpu.vector_store %arg7[%swap3A_1053, %swap3A_1054], %swap3A_1057 {strides = array<i32>} : memref<4x128xi32, #tpu.memory_space<vmem>>, vector<1x16xi32>,
    %get3A_1058 = arith.constant 336 : index
    %get3A_1059 = tpu.vector_load %arg6[%get3A_1058] {strides = array<i32>} : memref<512xi32, #tpu.memory_space<vmem>>, vector<16xi32>,
    %get3A_1060 = vector.shape_cast %get3A_1059 : vector<16xi32> to vector<16xi32>
    %add3A_1061 = arith.addi %get3A_1060, %broadcast_in_dim3A_848 : vector<16xi32>
    %swap3A_1062 = arith.constant 2 : i32
    %swap3A_1063 = arith.index_cast %swap3A_1062 : i32 to index
    %swap3A_1064 = arith.constant 80 : index
    %swap3A_1065 = tpu.vector_load %arg7[%swap3A_1063, %swap3A_1064] {strides = array<i32>} : memref<4x128xi32, #tpu.memory_space<vmem>>, vector<1x16xi32>,
    %swap3A_1066 = vector.shape_cast %swap3A_1065 : vector<1x16xi32> to vector<16xi32>
    %swap3A_1067 = vector.shape_cast %add3A_1061 : vector<16xi32> to vector<1x16xi32>
    tpu.vector_store %arg7[%swap3A_1063, %swap3A_1064], %swap3A_1067 {strides = array<i32>} : memref<4x128xi32, #tpu.memory_space<vmem>>, vector<1x16xi32>,
    %get3A_1068 = arith.constant 352 : index
    %get3A_1069 = tpu.vector_load %arg6[%get3A_1068] {strides = array<i32>} : memref<512xi32, #tpu.memory_space<vmem>>, vector<16xi32>,
    %get3A_1070 = vector.shape_cast %get3A_1069 : vector<16xi32> to vector<16xi32>
    %add3A_1071 = arith.addi %get3A_1070, %broadcast_in_dim3A_848 : vector<16xi32>
    %swap3A_1072 = arith.constant 2 : i32
    %swap3A_1073 = arith.index_cast %swap3A_1072 : i32 to index
    %swap3A_1074 = arith.constant 96 : index
    %swap3A_1075 = tpu.vector_load %arg7[%swap3A_1073, %swap3A_1074] {strides = array<i32>} : memref<4x128xi32, #tpu.memory_space<vmem>>, vector<1x16xi32>,
    %swap3A_1076 = vector.shape_cast %swap3A_1075 : vector<1x16xi32> to vector<16xi32>
    %swap3A_1077 = vector.shape_cast %add3A_1071 : vector<16xi32> to vector<1x16xi32>
    tpu.vector_store %arg7[%swap3A_1073, %swap3A_1074], %swap3A_1077 {strides = array<i32>} : memref<4x128xi32, #tpu.memory_space<vmem>>, vector<1x16xi32>,
    %get3A_1078 = arith.constant 368 : index
    %get3A_1079 = tpu.vector_load %arg6[%get3A_1078] {strides = array<i32>} : memref<512xi32, #tpu.memory_space<vmem>>, vector<16xi32>,
    %get3A_1080 = vector.shape_cast %get3A_1079 : vector<16xi32> to vector<16xi32>
    %add3A_1081 = arith.addi %get3A_1080, %broadcast_in_dim3A_848 : vector<16xi32>
    %swap3A_1082 = arith.constant 2 : i32
    %swap3A_1083 = arith.index_cast %swap3A_1082 : i32 to index
    %swap3A_1084 = arith.constant 112 : index
    %swap3A_1085 = tpu.vector_load %arg7[%swap3A_1083, %swap3A_1084] {strides = array<i32>} : memref<4x128xi32, #tpu.memory_space<vmem>>, vector<1x16xi32>,
    %swap3A_1086 = vector.shape_cast %swap3A_1085 : vector<1x16xi32> to vector<16xi32>
    %swap3A_1087 = vector.shape_cast %add3A_1081 : vector<16xi32> to vector<1x16xi32>
    tpu.vector_store %arg7[%swap3A_1083, %swap3A_1084], %swap3A_1087 {strides = array<i32>} : memref<4x128xi32, #tpu.memory_space<vmem>>, vector<1x16xi32>,
    %get3A_1088 = arith.constant 384 : index
    %get3A_1089 = tpu.vector_load %arg6[%get3A_1088] {strides = array<i32>} : memref<512xi32, #tpu.memory_space<vmem>>, vector<16xi32>,
    %get3A_1090 = vector.shape_cast %get3A_1089 : vector<16xi32> to vector<16xi32>
    %add3A_1091 = arith.addi %get3A_1090, %broadcast_in_dim3A_848 : vector<16xi32>
    %swap3A_1092 = arith.constant 3 : i32
    %swap3A_1093 = arith.index_cast %swap3A_1092 : i32 to index
    %swap3A_1094 = arith.constant 0 : index
    %swap3A_1095 = tpu.vector_load %arg7[%swap3A_1093, %swap3A_1094] {strides = array<i32>} : memref<4x128xi32, #tpu.memory_space<vmem>>, vector<1x16xi32>,
    %swap3A_1096 = vector.shape_cast %swap3A_1095 : vector<1x16xi32> to vector<16xi32>
    %swap3A_1097 = vector.shape_cast %add3A_1091 : vector<16xi32> to vector<1x16xi32>
    tpu.vector_store %arg7[%swap3A_1093, %swap3A_1094], %swap3A_1097 {strides = array<i32>} : memref<4x128xi32, #tpu.memory_space<vmem>>, vector<1x16xi32>,
    %get3A_1098 = arith.constant 400 : index
    %get3A_1099 = tpu.vector_load %arg6[%get3A_1098] {strides = array<i32>} : memref<512xi32, #tpu.memory_space<vmem>>, vector<16xi32>,
    %get3A_1100 = vector.shape_cast %get3A_1099 : vector<16xi32> to vector<16xi32>
    %add3A_1101 = arith.addi %get3A_1100, %broadcast_in_dim3A_848 : vector<16xi32>
    %swap3A_1102 = arith.constant 3 : i32
    %swap3A_1103 = arith.index_cast %swap3A_1102 : i32 to index
    %swap3A_1104 = arith.constant 16 : index
    %swap3A_1105 = tpu.vector_load %arg7[%swap3A_1103, %swap3A_1104] {strides = array<i32>} : memref<4x128xi32, #tpu.memory_space<vmem>>, vector<1x16xi32>,
    %swap3A_1106 = vector.shape_cast %swap3A_1105 : vector<1x16xi32> to vector<16xi32>
    %swap3A_1107 = vector.shape_cast %add3A_1101 : vector<16xi32> to vector<1x16xi32>
    tpu.vector_store %arg7[%swap3A_1103, %swap3A_1104], %swap3A_1107 {strides = array<i32>} : memref<4x128xi32, #tpu.memory_space<vmem>>, vector<1x16xi32>,
    %get3A_1108 = arith.constant 416 : index
    %get3A_1109 = tpu.vector_load %arg6[%get3A_1108] {strides = array<i32>} : memref<512xi32, #tpu.memory_space<vmem>>, vector<16xi32>,
    %get3A_1110 = vector.shape_cast %get3A_1109 : vector<16xi32> to vector<16xi32>
    %add3A_1111 = arith.addi %get3A_1110, %broadcast_in_dim3A_848 : vector<16xi32>
    %swap3A_1112 = arith.constant 3 : i32
    %swap3A_1113 = arith.index_cast %swap3A_1112 : i32 to index
    %swap3A_1114 = arith.constant 32 : index
    %swap3A_1115 = tpu.vector_load %arg7[%swap3A_1113, %swap3A_1114] {strides = array<i32>} : memref<4x128xi32, #tpu.memory_space<vmem>>, vector<1x16xi32>,
    %swap3A_1116 = vector.shape_cast %swap3A_1115 : vector<1x16xi32> to vector<16xi32>
    %swap3A_1117 = vector.shape_cast %add3A_1111 : vector<16xi32> to vector<1x16xi32>
    tpu.vector_store %arg7[%swap3A_1113, %swap3A_1114], %swap3A_1117 {strides = array<i32>} : memref<4x128xi32, #tpu.memory_space<vmem>>, vector<1x16xi32>,
    %get3A_1118 = arith.constant 432 : index
    %get3A_1119 = tpu.vector_load %arg6[%get3A_1118] {strides = array<i32>} : memref<512xi32, #tpu.memory_space<vmem>>, vector<16xi32>,
    %get3A_1120 = vector.shape_cast %get3A_1119 : vector<16xi32> to vector<16xi32>
    %add3A_1121 = arith.addi %get3A_1120, %broadcast_in_dim3A_848 : vector<16xi32>
    %swap3A_1122 = arith.constant 3 : i32
    %swap3A_1123 = arith.index_cast %swap3A_1122 : i32 to index
    %swap3A_1124 = arith.constant 48 : index
    %swap3A_1125 = tpu.vector_load %arg7[%swap3A_1123, %swap3A_1124] {strides = array<i32>} : memref<4x128xi32, #tpu.memory_space<vmem>>, vector<1x16xi32>,
    %swap3A_1126 = vector.shape_cast %swap3A_1125 : vector<1x16xi32> to vector<16xi32>
    %swap3A_1127 = vector.shape_cast %add3A_1121 : vector<16xi32> to vector<1x16xi32>
    tpu.vector_store %arg7[%swap3A_1123, %swap3A_1124], %swap3A_1127 {strides = array<i32>} : memref<4x128xi32, #tpu.memory_space<vmem>>, vector<1x16xi32>,
    %get3A_1128 = arith.constant 448 : index
    %get3A_1129 = tpu.vector_load %arg6[%get3A_1128] {strides = array<i32>} : memref<512xi32, #tpu.memory_space<vmem>>, vector<16xi32>,
    %get3A_1130 = vector.shape_cast %get3A_1129 : vector<16xi32> to vector<16xi32>
    %add3A_1131 = arith.addi %get3A_1130, %broadcast_in_dim3A_848 : vector<16xi32>
    %swap3A_1132 = arith.constant 3 : i32
    %swap3A_1133 = arith.index_cast %swap3A_1132 : i32 to index
    %swap3A_1134 = arith.constant 64 : index
    %swap3A_1135 = tpu.vector_load %arg7[%swap3A_1133, %swap3A_1134] {strides = array<i32>} : memref<4x128xi32, #tpu.memory_space<vmem>>, vector<1x16xi32>,
    %swap3A_1136 = vector.shape_cast %swap3A_1135 : vector<1x16xi32> to vector<16xi32>
    %swap3A_1137 = vector.shape_cast %add3A_1131 : vector<16xi32> to vector<1x16xi32>
    tpu.vector_store %arg7[%swap3A_1133, %swap3A_1134], %swap3A_1137 {strides = array<i32>} : memref<4x128xi32, #tpu.memory_space<vmem>>, vector<1x16xi32>,
    %get3A_1138 = arith.constant 464 : index
    %get3A_1139 = tpu.vector_load %arg6[%get3A_1138] {strides = array<i32>} : memref<512xi32, #tpu.memory_space<vmem>>, vector<16xi32>,
    %get3A_1140 = vector.shape_cast %get3A_1139 : vector<16xi32> to vector<16xi32>
    %add3A_1141 = arith.addi %get3A_1140, %broadcast_in_dim3A_848 : vector<16xi32>
    %swap3A_1142 = arith.constant 3 : i32
    %swap3A_1143 = arith.index_cast %swap3A_1142 : i32 to index
    %swap3A_1144 = arith.constant 80 : index
    %swap3A_1145 = tpu.vector_load %arg7[%swap3A_1143, %swap3A_1144] {strides = array<i32>} : memref<4x128xi32, #tpu.memory_space<vmem>>, vector<1x16xi32>,
    %swap3A_1146 = vector.shape_cast %swap3A_1145 : vector<1x16xi32> to vector<16xi32>
    %swap3A_1147 = vector.shape_cast %add3A_1141 : vector<16xi32> to vector<1x16xi32>
    tpu.vector_store %arg7[%swap3A_1143, %swap3A_1144], %swap3A_1147 {strides = array<i32>} : memref<4x128xi32, #tpu.memory_space<vmem>>, vector<1x16xi32>,
    %get3A_1148 = arith.constant 480 : index
    %get3A_1149 = tpu.vector_load %arg6[%get3A_1148] {strides = array<i32>} : memref<512xi32, #tpu.memory_space<vmem>>, vector<16xi32>,
    %get3A_1150 = vector.shape_cast %get3A_1149 : vector<16xi32> to vector<16xi32>
    %add3A_1151 = arith.addi %get3A_1150, %broadcast_in_dim3A_848 : vector<16xi32>
    %swap3A_1152 = arith.constant 3 : i32
    %swap3A_1153 = arith.index_cast %swap3A_1152 : i32 to index
    %swap3A_1154 = arith.constant 96 : index
    %swap3A_1155 = tpu.vector_load %arg7[%swap3A_1153, %swap3A_1154] {strides = array<i32>} : memref<4x128xi32, #tpu.memory_space<vmem>>, vector<1x16xi32>,
    %swap3A_1156 = vector.shape_cast %swap3A_1155 : vector<1x16xi32> to vector<16xi32>
    %swap3A_1157 = vector.shape_cast %add3A_1151 : vector<16xi32> to vector<1x16xi32>
    tpu.vector_store %arg7[%swap3A_1153, %swap3A_1154], %swap3A_1157 {strides = array<i32>} : memref<4x128xi32, #tpu.memory_space<vmem>>, vector<1x16xi32>,
    %get3A_1158 = arith.constant 496 : index
    %get3A_1159 = tpu.vector_load %arg6[%get3A_1158] {strides = array<i32>} : memref<512xi32, #tpu.memory_space<vmem>>, vector<16xi32>,
    %get3A_1160 = vector.shape_cast %get3A_1159 : vector<16xi32> to vector<16xi32>
    %add3A_1161 = arith.addi %get3A_1160, %broadcast_in_dim3A_848 : vector<16xi32>
    %swap3A_1162 = arith.constant 3 : i32
    %swap3A_1163 = arith.index_cast %swap3A_1162 : i32 to index
    %swap3A_1164 = arith.constant 112 : index
    %swap3A_1165 = tpu.vector_load %arg7[%swap3A_1163, %swap3A_1164] {strides = array<i32>} : memref<4x128xi32, #tpu.memory_space<vmem>>, vector<1x16xi32>,
    %swap3A_1166 = vector.shape_cast %swap3A_1165 : vector<1x16xi32> to vector<16xi32>
    %swap3A_1167 = vector.shape_cast %add3A_1161 : vector<16xi32> to vector<1x16xi32>
    tpu.vector_store %arg7[%swap3A_1163, %swap3A_1164], %swap3A_1167 {strides = array<i32>} : memref<4x128xi32, #tpu.memory_space<vmem>>, vector<1x16xi32>,
    %barrier3A = arith.constant 0 : index
    tpu.barrier barrier_id(%barrier3A)
    %dma_wait3A_1168 = arith.constant 0 : i32
    %dma_wait3A_1169 = arith.constant 0 : i32
    %dma_wait3A_1170 = tpu.memref_slice %arg5[%dma_wait3A_1168, %dma_wait3A_1169] : memref<512x128xf32, #tpu.memory_space<vmem>> -> memref<128x128xf32, #tpu.memory_space<vmem>>
    %dma_wait3A_1171 = arith.constant 0 : i32
    %dma_wait3A_1172 = tpu.memref_slice %arg2[%add3A_28, %dma_wait3A_1171] : memref<16384x128xf32, #tpu.memory_space<hbm>> -> memref<128x128xf32, #tpu.memory_space<hbm>>
    %dma_wait3A_1173 = arith.constant 0 : i32
    %dma_wait3A_1174 = arith.constant 0 : i32
    %dma_wait3A_1175 = tpu.memref_slice %arg5[%dma_wait3A_1173, %dma_wait3A_1174] : memref<512x128xf32, #tpu.memory_space<vmem>> -> memref<128x128xf32, #tpu.memory_space<vmem>>
    %dma_wait3A_1176 = arith.constant 0 : i32
    %dma_wait3A_1177 = tpu.memref_slice %arg2[%add3A_28, %dma_wait3A_1176] : memref<16384x128xf32, #tpu.memory_space<hbm>> -> memref<128x128xf32, #tpu.memory_space<hbm>>
    tpu.wait_dma2 semaphore(%arg11 : memref<!tpu.dma_semaphore, #tpu.memory_space<semaphore_mem>>) src(%dma_wait3A_1177 : memref<128x128xf32, #tpu.memory_space<hbm>>) dst(%dma_wait3A_1175 : memref<128x128xf32, #tpu.memory_space<vmem>>)
    %dma_start3A_1178 = arith.constant 0 : i32
    %dma_start3A_1179 = arith.constant 0 : i32
    %dma_start3A_1180 = arith.constant 0 : i32
    %dma_start3A_1181 = tpu.memref_slice %arg5[%dma_start3A_1179, %dma_start3A_1180] : memref<512x128xf32, #tpu.memory_space<vmem>> -> memref<128x128xf32, #tpu.memory_space<vmem>>
    %dma_start3A_1182 = arith.constant 0 : i32
    %dma_start3A_1183 = tpu.memref_slice %arg7[%dma_start3A_1178, %dma_start3A_1182] : memref<4x128xi32, #tpu.memory_space<vmem>> -> memref<1x128xi32, #tpu.memory_space<vmem>>
    %dma_start3A_1184 = tpu.memref_squeeze %dma_start3A_1183 : memref<1x128xi32, #tpu.memory_space<vmem>> -> memref<128xi32, #tpu.memory_space<vmem>>
    %dma_start3A_1185 = arith.constant 0 : i32
    %dma_start3A_1186 = arith.constant 0 : i32
    %dma_start3A_1187 = tpu.memref_slice %arg9[%dma_start3A_1185, %dma_start3A_1186] : memref<256x128xf32, #tpu.memory_space<vmem_shared>> -> memref<256x128xf32, #tpu.memory_space<vmem_shared>>
    tpu.enqueue_indirect_dma source(%dma_start3A_1181 : memref<128x128xf32, #tpu.memory_space<vmem>>) target(%dma_start3A_1187 : memref<256x128xf32, #tpu.memory_space<vmem_shared>>) offsets(%dma_start3A_1184 : memref<128xi32, #tpu.memory_space<vmem>>) semaphore(%arg15 : memref<!tpu.dma_semaphore, #tpu.memory_space<semaphore_mem>>) {add = true}
    %dma_wait3A_1188 = arith.constant 128 : i32
    %dma_wait3A_1189 = arith.constant 0 : i32
    %dma_wait3A_1190 = tpu.memref_slice %arg5[%dma_wait3A_1188, %dma_wait3A_1189] : memref<512x128xf32, #tpu.memory_space<vmem>> -> memref<128x128xf32, #tpu.memory_space<vmem>>
    %dma_wait3A_1191 = arith.constant 0 : i32
    %dma_wait3A_1192 = tpu.memref_slice %arg2[%add3A_40, %dma_wait3A_1191] : memref<16384x128xf32, #tpu.memory_space<hbm>> -> memref<128x128xf32, #tpu.memory_space<hbm>>
    %dma_wait3A_1193 = arith.constant 128 : i32
    %dma_wait3A_1194 = arith.constant 0 : i32
    %dma_wait3A_1195 = tpu.memref_slice %arg5[%dma_wait3A_1193, %dma_wait3A_1194] : memref<512x128xf32, #tpu.memory_space<vmem>> -> memref<128x128xf32, #tpu.memory_space<vmem>>
    %dma_wait3A_1196 = arith.constant 0 : i32
    %dma_wait3A_1197 = tpu.memref_slice %arg2[%add3A_40, %dma_wait3A_1196] : memref<16384x128xf32, #tpu.memory_space<hbm>> -> memref<128x128xf32, #tpu.memory_space<hbm>>
    tpu.wait_dma2 semaphore(%arg12 : memref<!tpu.dma_semaphore, #tpu.memory_space<semaphore_mem>>) src(%dma_wait3A_1197 : memref<128x128xf32, #tpu.memory_space<hbm>>) dst(%dma_wait3A_1195 : memref<128x128xf32, #tpu.memory_space<vmem>>)
    %dma_start3A_1198 = arith.constant 1 : i32
    %dma_start3A_1199 = arith.constant 128 : i32
    %dma_start3A_1200 = arith.constant 0 : i32
    %dma_start3A_1201 = tpu.memref_slice %arg5[%dma_start3A_1199, %dma_start3A_1200] : memref<512x128xf32, #tpu.memory_space<vmem>> -> memref<128x128xf32, #tpu.memory_space<vmem>>
    %dma_start3A_1202 = arith.constant 0 : i32
    %dma_start3A_1203 = tpu.memref_slice %arg7[%dma_start3A_1198, %dma_start3A_1202] : memref<4x128xi32, #tpu.memory_space<vmem>> -> memref<1x128xi32, #tpu.memory_space<vmem>>
    %dma_start3A_1204 = tpu.memref_squeeze %dma_start3A_1203 : memref<1x128xi32, #tpu.memory_space<vmem>> -> memref<128xi32, #tpu.memory_space<vmem>>
    %dma_start3A_1205 = arith.constant 0 : i32
    %dma_start3A_1206 = arith.constant 0 : i32
    %dma_start3A_1207 = tpu.memref_slice %arg9[%dma_start3A_1205, %dma_start3A_1206] : memref<256x128xf32, #tpu.memory_space<vmem_shared>> -> memref<256x128xf32, #tpu.memory_space<vmem_shared>>
    tpu.enqueue_indirect_dma source(%dma_start3A_1201 : memref<128x128xf32, #tpu.memory_space<vmem>>) target(%dma_start3A_1207 : memref<256x128xf32, #tpu.memory_space<vmem_shared>>) offsets(%dma_start3A_1204 : memref<128xi32, #tpu.memory_space<vmem>>) semaphore(%arg15 : memref<!tpu.dma_semaphore, #tpu.memory_space<semaphore_mem>>) {add = true}
    %dma_wait3A_1208 = arith.constant 256 : i32
    %dma_wait3A_1209 = arith.constant 0 : i32
    %dma_wait3A_1210 = tpu.memref_slice %arg5[%dma_wait3A_1208, %dma_wait3A_1209] : memref<512x128xf32, #tpu.memory_space<vmem>> -> memref<128x128xf32, #tpu.memory_space<vmem>>
    %dma_wait3A_1211 = arith.constant 0 : i32
    %dma_wait3A_1212 = tpu.memref_slice %arg2[%add3A_52, %dma_wait3A_1211] : memref<16384x128xf32, #tpu.memory_space<hbm>> -> memref<128x128xf32, #tpu.memory_space<hbm>>
    %dma_wait3A_1213 = arith.constant 256 : i32
    %dma_wait3A_1214 = arith.constant 0 : i32
    %dma_wait3A_1215 = tpu.memref_slice %arg5[%dma_wait3A_1213, %dma_wait3A_1214] : memref<512x128xf32, #tpu.memory_space<vmem>> -> memref<128x128xf32, #tpu.memory_space<vmem>>
    %dma_wait3A_1216 = arith.constant 0 : i32
    %dma_wait3A_1217 = tpu.memref_slice %arg2[%add3A_52, %dma_wait3A_1216] : memref<16384x128xf32, #tpu.memory_space<hbm>> -> memref<128x128xf32, #tpu.memory_space<hbm>>
    tpu.wait_dma2 semaphore(%arg13 : memref<!tpu.dma_semaphore, #tpu.memory_space<semaphore_mem>>) src(%dma_wait3A_1217 : memref<128x128xf32, #tpu.memory_space<hbm>>) dst(%dma_wait3A_1215 : memref<128x128xf32, #tpu.memory_space<vmem>>)
    %dma_start3A_1218 = arith.constant 2 : i32
    %dma_start3A_1219 = arith.constant 256 : i32
    %dma_start3A_1220 = arith.constant 0 : i32
    %dma_start3A_1221 = tpu.memref_slice %arg5[%dma_start3A_1219, %dma_start3A_1220] : memref<512x128xf32, #tpu.memory_space<vmem>> -> memref<128x128xf32, #tpu.memory_space<vmem>>
    %dma_start3A_1222 = arith.constant 0 : i32
    %dma_start3A_1223 = tpu.memref_slice %arg7[%dma_start3A_1218, %dma_start3A_1222] : memref<4x128xi32, #tpu.memory_space<vmem>> -> memref<1x128xi32, #tpu.memory_space<vmem>>
    %dma_start3A_1224 = tpu.memref_squeeze %dma_start3A_1223 : memref<1x128xi32, #tpu.memory_space<vmem>> -> memref<128xi32, #tpu.memory_space<vmem>>
    %dma_start3A_1225 = arith.constant 0 : i32
    %dma_start3A_1226 = arith.constant 0 : i32
    %dma_start3A_1227 = tpu.memref_slice %arg9[%dma_start3A_1225, %dma_start3A_1226] : memref<256x128xf32, #tpu.memory_space<vmem_shared>> -> memref<256x128xf32, #tpu.memory_space<vmem_shared>>
    tpu.enqueue_indirect_dma source(%dma_start3A_1221 : memref<128x128xf32, #tpu.memory_space<vmem>>) target(%dma_start3A_1227 : memref<256x128xf32, #tpu.memory_space<vmem_shared>>) offsets(%dma_start3A_1224 : memref<128xi32, #tpu.memory_space<vmem>>) semaphore(%arg15 : memref<!tpu.dma_semaphore, #tpu.memory_space<semaphore_mem>>) {add = true}
    %dma_wait3A_1228 = arith.constant 384 : i32
    %dma_wait3A_1229 = arith.constant 0 : i32
    %dma_wait3A_1230 = tpu.memref_slice %arg5[%dma_wait3A_1228, %dma_wait3A_1229] : memref<512x128xf32, #tpu.memory_space<vmem>> -> memref<128x128xf32, #tpu.memory_space<vmem>>
    %dma_wait3A_1231 = arith.constant 0 : i32
    %dma_wait3A_1232 = tpu.memref_slice %arg2[%add3A_64, %dma_wait3A_1231] : memref<16384x128xf32, #tpu.memory_space<hbm>> -> memref<128x128xf32, #tpu.memory_space<hbm>>
    %dma_wait3A_1233 = arith.constant 384 : i32
    %dma_wait3A_1234 = arith.constant 0 : i32
    %dma_wait3A_1235 = tpu.memref_slice %arg5[%dma_wait3A_1233, %dma_wait3A_1234] : memref<512x128xf32, #tpu.memory_space<vmem>> -> memref<128x128xf32, #tpu.memory_space<vmem>>
    %dma_wait3A_1236 = arith.constant 0 : i32
    %dma_wait3A_1237 = tpu.memref_slice %arg2[%add3A_64, %dma_wait3A_1236] : memref<16384x128xf32, #tpu.memory_space<hbm>> -> memref<128x128xf32, #tpu.memory_space<hbm>>
    tpu.wait_dma2 semaphore(%arg14 : memref<!tpu.dma_semaphore, #tpu.memory_space<semaphore_mem>>) src(%dma_wait3A_1237 : memref<128x128xf32, #tpu.memory_space<hbm>>) dst(%dma_wait3A_1235 : memref<128x128xf32, #tpu.memory_space<vmem>>)
    %dma_start3A_1238 = arith.constant 3 : i32
    %dma_start3A_1239 = arith.constant 384 : i32
    %dma_start3A_1240 = arith.constant 0 : i32
    %dma_start3A_1241 = tpu.memref_slice %arg5[%dma_start3A_1239, %dma_start3A_1240] : memref<512x128xf32, #tpu.memory_space<vmem>> -> memref<128x128xf32, #tpu.memory_space<vmem>>
    %dma_start3A_1242 = arith.constant 0 : i32
    %dma_start3A_1243 = tpu.memref_slice %arg7[%dma_start3A_1238, %dma_start3A_1242] : memref<4x128xi32, #tpu.memory_space<vmem>> -> memref<1x128xi32, #tpu.memory_space<vmem>>
    %dma_start3A_1244 = tpu.memref_squeeze %dma_start3A_1243 : memref<1x128xi32, #tpu.memory_space<vmem>> -> memref<128xi32, #tpu.memory_space<vmem>>
    %dma_start3A_1245 = arith.constant 0 : i32
    %dma_start3A_1246 = arith.constant 0 : i32
    %dma_start3A_1247 = tpu.memref_slice %arg9[%dma_start3A_1245, %dma_start3A_1246] : memref<256x128xf32, #tpu.memory_space<vmem_shared>> -> memref<256x128xf32, #tpu.memory_space<vmem_shared>>
    tpu.enqueue_indirect_dma source(%dma_start3A_1241 : memref<128x128xf32, #tpu.memory_space<vmem>>) target(%dma_start3A_1247 : memref<256x128xf32, #tpu.memory_space<vmem_shared>>) offsets(%dma_start3A_1244 : memref<128xi32, #tpu.memory_space<vmem>>) semaphore(%arg15 : memref<!tpu.dma_semaphore, #tpu.memory_space<semaphore_mem>>) {add = true}
    %dma_wait3A_1248 = arith.constant 0 : i32
    %dma_wait3A_1249 = arith.constant 0 : i32
    %dma_wait3A_1250 = arith.constant 0 : i32
    %dma_wait3A_1251 = tpu.memref_slice %arg5[%dma_wait3A_1249, %dma_wait3A_1250] : memref<512x128xf32, #tpu.memory_space<vmem>> -> memref<128x128xf32, #tpu.memory_space<vmem>>
    %dma_wait3A_1252 = arith.constant 0 : i32
    %dma_wait3A_1253 = tpu.memref_slice %arg7[%dma_wait3A_1248, %dma_wait3A_1252] : memref<4x128xi32, #tpu.memory_space<vmem>> -> memref<1x128xi32, #tpu.memory_space<vmem>>
    %dma_wait3A_1254 = tpu.memref_squeeze %dma_wait3A_1253 : memref<1x128xi32, #tpu.memory_space<vmem>> -> memref<128xi32, #tpu.memory_space<vmem>>
    %dma_wait3A_1255 = arith.constant 0 : i32
    %dma_wait3A_1256 = arith.constant 0 : i32
    %dma_wait3A_1257 = tpu.memref_slice %arg9[%dma_wait3A_1255, %dma_wait3A_1256] : memref<256x128xf32, #tpu.memory_space<vmem_shared>> -> memref<256x128xf32, #tpu.memory_space<vmem_shared>>
    tpu.wait_indirect_dma semaphore(%arg15 : memref<!tpu.dma_semaphore, #tpu.memory_space<semaphore_mem>>) src(%dma_wait3A_1251 : memref<128x128xf32, #tpu.memory_space<vmem>>) dst(%dma_wait3A_1257 : memref<256x128xf32, #tpu.memory_space<vmem_shared>>)
    %dma_wait3A_1258 = arith.constant 1 : i32
    %dma_wait3A_1259 = arith.constant 128 : i32
    %dma_wait3A_1260 = arith.constant 0 : i32
    %dma_wait3A_1261 = tpu.memref_slice %arg5[%dma_wait3A_1259, %dma_wait3A_1260] : memref<512x128xf32, #tpu.memory_space<vmem>> -> memref<128x128xf32, #tpu.memory_space<vmem>>
    %dma_wait3A_1262 = arith.constant 0 : i32
    %dma_wait3A_1263 = tpu.memref_slice %arg7[%dma_wait3A_1258, %dma_wait3A_1262] : memref<4x128xi32, #tpu.memory_space<vmem>> -> memref<1x128xi32, #tpu.memory_space<vmem>>
    %dma_wait3A_1264 = tpu.memref_squeeze %dma_wait3A_1263 : memref<1x128xi32, #tpu.memory_space<vmem>> -> memref<128xi32, #tpu.memory_space<vmem>>
    %dma_wait3A_1265 = arith.constant 0 : i32
    %dma_wait3A_1266 = arith.constant 0 : i32
    %dma_wait3A_1267 = tpu.memref_slice %arg9[%dma_wait3A_1265, %dma_wait3A_1266] : memref<256x128xf32, #tpu.memory_space<vmem_shared>> -> memref<256x128xf32, #tpu.memory_space<vmem_shared>>
    tpu.wait_indirect_dma semaphore(%arg15 : memref<!tpu.dma_semaphore, #tpu.memory_space<semaphore_mem>>) src(%dma_wait3A_1261 : memref<128x128xf32, #tpu.memory_space<vmem>>) dst(%dma_wait3A_1267 : memref<256x128xf32, #tpu.memory_space<vmem_shared>>)
    %dma_wait3A_1268 = arith.constant 2 : i32
    %dma_wait3A_1269 = arith.constant 256 : i32
    %dma_wait3A_1270 = arith.constant 0 : i32
    %dma_wait3A_1271 = tpu.memref_slice %arg5[%dma_wait3A_1269, %dma_wait3A_1270] : memref<512x128xf32, #tpu.memory_space<vmem>> -> memref<128x128xf32, #tpu.memory_space<vmem>>
    %dma_wait3A_1272 = arith.constant 0 : i32
    %dma_wait3A_1273 = tpu.memref_slice %arg7[%dma_wait3A_1268, %dma_wait3A_1272] : memref<4x128xi32, #tpu.memory_space<vmem>> -> memref<1x128xi32, #tpu.memory_space<vmem>>
    %dma_wait3A_1274 = tpu.memref_squeeze %dma_wait3A_1273 : memref<1x128xi32, #tpu.memory_space<vmem>> -> memref<128xi32, #tpu.memory_space<vmem>>
    %dma_wait3A_1275 = arith.constant 0 : i32
    %dma_wait3A_1276 = arith.constant 0 : i32
    %dma_wait3A_1277 = tpu.memref_slice %arg9[%dma_wait3A_1275, %dma_wait3A_1276] : memref<256x128xf32, #tpu.memory_space<vmem_shared>> -> memref<256x128xf32, #tpu.memory_space<vmem_shared>>
    tpu.wait_indirect_dma semaphore(%arg15 : memref<!tpu.dma_semaphore, #tpu.memory_space<semaphore_mem>>) src(%dma_wait3A_1271 : memref<128x128xf32, #tpu.memory_space<vmem>>) dst(%dma_wait3A_1277 : memref<256x128xf32, #tpu.memory_space<vmem_shared>>)
    %dma_wait3A_1278 = arith.constant 3 : i32
    %dma_wait3A_1279 = arith.constant 384 : i32
    %dma_wait3A_1280 = arith.constant 0 : i32
    %dma_wait3A_1281 = tpu.memref_slice %arg5[%dma_wait3A_1279, %dma_wait3A_1280] : memref<512x128xf32, #tpu.memory_space<vmem>> -> memref<128x128xf32, #tpu.memory_space<vmem>>
    %dma_wait3A_1282 = arith.constant 0 : i32
    %dma_wait3A_1283 = tpu.memref_slice %arg7[%dma_wait3A_1278, %dma_wait3A_1282] : memref<4x128xi32, #tpu.memory_space<vmem>> -> memref<1x128xi32, #tpu.memory_space<vmem>>
    %dma_wait3A_1284 = tpu.memref_squeeze %dma_wait3A_1283 : memref<1x128xi32, #tpu.memory_space<vmem>> -> memref<128xi32, #tpu.memory_space<vmem>>
    %dma_wait3A_1285 = arith.constant 0 : i32
    %dma_wait3A_1286 = arith.constant 0 : i32
    %dma_wait3A_1287 = tpu.memref_slice %arg9[%dma_wait3A_1285, %dma_wait3A_1286] : memref<256x128xf32, #tpu.memory_space<vmem_shared>> -> memref<256x128xf32, #tpu.memory_space<vmem_shared>>
    tpu.wait_indirect_dma semaphore(%arg15 : memref<!tpu.dma_semaphore, #tpu.memory_space<semaphore_mem>>) src(%dma_wait3A_1281 : memref<128x128xf32, #tpu.memory_space<vmem>>) dst(%dma_wait3A_1287 : memref<256x128xf32, #tpu.memory_space<vmem_shared>>)
    %barrier3A_1288 = arith.constant 0 : index
    tpu.barrier barrier_id(%barrier3A_1288)
    %eq3A = arith.constant 0 : i32
    %eq3A_1289 = arith.cmpi eq, %arg1, %eq3A : i32
    %convert_element_type3A = arith.extui %eq3A_1289 : i1 to i32
    %cond3A = arith.constant 0 : i32
    %cond3A_1290 = arith.cmpi ne, %convert_element_type3A, %cond3A : i32
    scf.if %cond3A_1290 {
      "tpu.region"() ({
        %run_scoped3A = tpu.sem_alloc : memref<!tpu.dma_semaphore, #tpu.memory_space<semaphore_mem>>
        %dma_start3A_1291 = arith.constant 0 : i32
        %dma_start3A_1292 = arith.constant 0 : i32
        %dma_start3A_1293 = tpu.memref_slice %arg4[%arg0, %dma_start3A_1291, %dma_start3A_1292] : memref<2x256x128xf32, #tpu.memory_space<hbm>> -> memref<1x256x128xf32, #tpu.memory_space<hbm>>
        %dma_start3A_1294 = tpu.memref_squeeze %dma_start3A_1293 : memref<1x256x128xf32, #tpu.memory_space<hbm>> -> memref<256x128xf32, #tpu.memory_space<hbm>>
        tpu.enqueue_dma source(%arg9 : memref<256x128xf32, #tpu.memory_space<vmem_shared>>) target(%dma_start3A_1294 : memref<256x128xf32, #tpu.memory_space<hbm>>) target_semaphore(%run_scoped3A : memref<!tpu.dma_semaphore, #tpu.memory_space<semaphore_mem>>)
        %dma_wait3A_1295 = arith.constant 0 : i32
        %dma_wait3A_1296 = arith.constant 0 : i32
        %dma_wait3A_1297 = tpu.memref_slice %arg4[%arg0, %dma_wait3A_1295, %dma_wait3A_1296] : memref<2x256x128xf32, #tpu.memory_space<hbm>> -> memref<1x256x128xf32, #tpu.memory_space<hbm>>
        %dma_wait3A_1298 = tpu.memref_squeeze %dma_wait3A_1297 : memref<1x256x128xf32, #tpu.memory_space<hbm>> -> memref<256x128xf32, #tpu.memory_space<hbm>>
        tpu.wait_dma2 semaphore(%run_scoped3A : memref<!tpu.dma_semaphore, #tpu.memory_space<semaphore_mem>>) src(%arg9 : memref<256x128xf32, #tpu.memory_space<vmem_shared>>) dst(%dma_wait3A_1298 : memref<256x128xf32, #tpu.memory_space<hbm>>)
        tpu.yield
      }) : () -> ()
    } else {
    }
    return
  }
}

module attributes {stable_mosaic.version = 14 : i64} {
  func.func @_tc_loss_body(%arg0: memref<2x256x128xf32, #tpu.memory_space<vmem>>, %arg1: memref<1x4096xi32, #tpu.memory_space<vmem>>, %arg2: memref<1x1xf32, #tpu.memory_space<vmem>>) attributes {dimension_semantics = [], scalar_prefetch = 0 : i64, scratch_operands = 0 : i64, tpu.core_type = #tpu.core_type<tc>} {
    %get3A = arith.constant 0 : index
    %get3A_0 = arith.constant 0 : index
    %get3A_1 = arith.constant 0 : index
    %get3A_2 = vector.load %arg0[%get3A, %get3A_0, %get3A_1] : memref<2x256x128xf32, #tpu.memory_space<vmem>>, vector<1x256x128xf32>
    %get3A_3 = vector.shape_cast %get3A_2 : vector<1x256x128xf32> to vector<256x128xf32>
    %get3A_4 = arith.constant 1 : index
    %get3A_5 = arith.constant 0 : index
    %get3A_6 = arith.constant 0 : index
    %get3A_7 = vector.load %arg0[%get3A_4, %get3A_5, %get3A_6] : memref<2x256x128xf32, #tpu.memory_space<vmem>>, vector<1x256x128xf32>
    %get3A_8 = vector.shape_cast %get3A_7 : vector<1x256x128xf32> to vector<256x128xf32>
    %add3A = arith.addf %get3A_3, %get3A_8 : vector<256x128xf32>
    %get3A_9 = arith.constant 0 : index
    %get3A_10 = arith.constant 0 : index
    %get3A_11 = vector.load %arg1[%get3A_9, %get3A_10] : memref<1x4096xi32, #tpu.memory_space<vmem>>, vector<1x4096xi32>
    %iota3A = tpu.iota {dimensions = array<i32: 0>} : vector<64x4096xi32>
    %broadcast_in_dim3A = vector.shape_cast %get3A_11 : vector<1x4096xi32> to vector<1x4096xi32>
    %broadcast_in_dim3A_12 = vector.broadcast %broadcast_in_dim3A : vector<1x4096xi32> to vector<64x4096xi32>
    %eq3A = arith.cmpi eq, %broadcast_in_dim3A_12, %iota3A : vector<64x4096xi32>
    %convert_element_type3A = arith.extui %eq3A : vector<64x4096xi1> to vector<64x4096xi32>
    %convert_element_type3A_13 = arith.sitofp %convert_element_type3A : vector<64x4096xi32> to vector<64x4096xf32>
    %reduce_sum3A = arith.constant dense<0.000000e+00> : vector<64xf32>
    %reduce_sum3A_14 = vector.multi_reduction <add>, %convert_element_type3A_13, %reduce_sum3A [1] : vector<64x4096xf32> to vector<64xf32>
    %broadcast_in_dim3A_15 = vector.shape_cast %reduce_sum3A_14 : vector<64xf32> to vector<64x1xf32>
    %min3A = arith.constant 1.000000e+00 : f32
    %min3A_16 = vector.broadcast %min3A : f32 to vector<64x1xf32>
    %min3A_17 = arith.minimumf %broadcast_in_dim3A_15, %min3A_16 : vector<64x1xf32>
    %max3A = arith.constant 1.000000e+00 : f32
    %max3A_18 = vector.broadcast %max3A : f32 to vector<64x1xf32>
    %max3A_19 = arith.maximumf %broadcast_in_dim3A_15, %max3A_18 : vector<64x1xf32>
    %slice3A = vector.extract_strided_slice %add3A {offsets = [0, 0], sizes = [64, 128], strides = [1, 1]} : vector<256x128xf32> to vector<64x128xf32>
    %div3A = vector.broadcast %max3A_19 : vector<64x1xf32> to vector<64x128xf32>
    %div3A_20 = arith.divf %slice3A, %div3A : vector<64x128xf32>
    %slice3A_21 = vector.extract_strided_slice %add3A {offsets = [64, 0], sizes = [64, 128], strides = [1, 1]} : vector<256x128xf32> to vector<64x128xf32>
    %div3A_22 = vector.broadcast %max3A_19 : vector<64x1xf32> to vector<64x128xf32>
    %div3A_23 = arith.divf %slice3A_21, %div3A_22 : vector<64x128xf32>
    %slice3A_24 = vector.extract_strided_slice %add3A {offsets = [128, 0], sizes = [64, 128], strides = [1, 1]} : vector<256x128xf32> to vector<64x128xf32>
    %div3A_25 = vector.broadcast %max3A_19 : vector<64x1xf32> to vector<64x128xf32>
    %div3A_26 = arith.divf %slice3A_24, %div3A_25 : vector<64x128xf32>
    %slice3A_27 = vector.extract_strided_slice %add3A {offsets = [192, 0], sizes = [64, 128], strides = [1, 1]} : vector<256x128xf32> to vector<64x128xf32>
    %div3A_28 = vector.broadcast %max3A_19 : vector<64x1xf32> to vector<64x128xf32>
    %div3A_29 = arith.divf %slice3A_27, %div3A_28 : vector<64x128xf32>
    %reduce_sum3A_30 = vector.shape_cast %min3A_17 : vector<64x1xf32> to vector<1x64x1xf32>
    %reduce_sum3A_31 = arith.constant dense<0.000000e+00> : vector<1xf32>
    %reduce_sum3A_32 = vector.multi_reduction <add>, %reduce_sum3A_30, %reduce_sum3A_31 [1, 2] : vector<1x64x1xf32> to vector<1xf32>
    %reduce_sum3A_33 = vector.shape_cast %reduce_sum3A_32 : vector<1xf32> to vector<1x1x1xf32>
    %reduce_sum3A_34 = vector.extract %reduce_sum3A_33[0, 0, 0] : f32 from vector<1x1x1xf32>
    %sub3A = vector.broadcast %reduce_sum3A_34 : f32 to vector<64x1xf32>
    %sub3A_35 = arith.subf %sub3A, %min3A_17 : vector<64x1xf32>
    %max3A_36 = arith.constant 0.000000e+00 : f32
    %max3A_37 = vector.broadcast %max3A_36 : f32 to vector<64x1xf32>
    %max3A_38 = arith.maximumf %sub3A_35, %max3A_37 : vector<64x1xf32>
    %min3A_39 = arith.constant 1.000000e+00 : f32
    %min3A_40 = vector.broadcast %min3A_39 : f32 to vector<64x1xf32>
    %min3A_41 = arith.minimumf %max3A_38, %min3A_40 : vector<64x1xf32>
    %mul3A = arith.mulf %min3A_17, %min3A_41 : vector<64x1xf32>
    %iota3A_42 = tpu.iota {dimensions = array<i32: 0>} : vector<64x64xi32>
    %iota3A_43 = tpu.iota {dimensions = array<i32: 1>} : vector<64x64xi32>
    %eq3A_44 = arith.cmpi eq, %iota3A_42, %iota3A_43 : vector<64x64xi32>
    %convert_element_type3A_45 = arith.extui %eq3A_44 : vector<64x64xi1> to vector<64x64xi32>
    %convert_element_type3A_46 = arith.sitofp %convert_element_type3A_45 : vector<64x64xi32> to vector<64x64xf32>
    %sub3A_47 = arith.constant 1.000000e+00 : f32
    %sub3A_48 = vector.broadcast %sub3A_47 : f32 to vector<64x1xf32>
    %sub3A_49 = arith.subf %sub3A_48, %min3A_17 : vector<64x1xf32>
    %reshape3A = vector.shape_cast %sub3A_49 : vector<64x1xf32> to vector<1x64xf32>
    %add3A_50 = vector.broadcast %reshape3A : vector<1x64xf32> to vector<64x64xf32>
    %add3A_51 = arith.addf %convert_element_type3A_46, %add3A_50 : vector<64x64xf32>
    %mul3A_52 = arith.constant 1.000000e+30 : f32
    %mul3A_53 = vector.broadcast %mul3A_52 : f32 to vector<64x64xf32>
    %mul3A_54 = arith.mulf %add3A_51, %mul3A_53 : vector<64x64xf32>
    %mul3A_55 = arith.mulf %div3A_20, %div3A_20 : vector<64x128xf32>
    %reduce_sum3A_56 = arith.constant dense<0.000000e+00> : vector<64xf32>
    %reduce_sum3A_57 = vector.multi_reduction <add>, %mul3A_55, %reduce_sum3A_56 [1] : vector<64x128xf32> to vector<64xf32>
    %broadcast_in_dim3A_58 = vector.shape_cast %reduce_sum3A_57 : vector<64xf32> to vector<64x1xf32>
    %dot_general3A = arith.constant dense<0.000000e+00> : vector<64x64xf32>
    %dot_general3A_59 = tpu.matmul %div3A_20, %div3A_20, %dot_general3A {dimension_numbers = #tpu.dot_dimension_numbers<[1], [1], [0], [0], [0, 0, 1, 0], [], []>, precision = #tpu.contract_precision<fp32>, transpose_lhs_hint = false} : vector<64x128xf32>, vector<64x128xf32>, vector<64x64xf32> -> vector<64x64xf32>
    %reshape3A_60 = vector.shape_cast %broadcast_in_dim3A_58 : vector<64x1xf32> to vector<1x64xf32>
    %add3A_61 = vector.broadcast %broadcast_in_dim3A_58 : vector<64x1xf32> to vector<64x64xf32>
    %add3A_62 = vector.broadcast %reshape3A_60 : vector<1x64xf32> to vector<64x64xf32>
    %add3A_63 = arith.addf %add3A_61, %add3A_62 : vector<64x64xf32>
    %mul3A_64 = arith.constant 2.000000e+00 : f32
    %mul3A_65 = vector.broadcast %mul3A_64 : f32 to vector<64x64xf32>
    %mul3A_66 = arith.mulf %mul3A_65, %dot_general3A_59 : vector<64x64xf32>
    %sub3A_67 = arith.subf %add3A_63, %mul3A_66 : vector<64x64xf32>
    %max3A_68 = arith.constant 0.000000e+00 : f32
    %max3A_69 = vector.broadcast %max3A_68 : f32 to vector<64x64xf32>
    %max3A_70 = arith.maximumf %sub3A_67, %max3A_69 : vector<64x64xf32>
    %add3A_71 = arith.addf %max3A_70, %mul3A_54 : vector<64x64xf32>
    %reduce_min3A = arith.constant dense<0x7F800000> : vector<64xf32>
    %reduce_min3A_72 = vector.multi_reduction <minimumf>, %add3A_71, %reduce_min3A [1] : vector<64x64xf32> to vector<64xf32>
    %broadcast_in_dim3A_73 = vector.shape_cast %reduce_min3A_72 : vector<64xf32> to vector<64x1xf32>
    %sqrt3A = math.sqrt %broadcast_in_dim3A_73 : vector<64x1xf32>
    %mul3A_74 = arith.mulf %div3A_23, %div3A_23 : vector<64x128xf32>
    %reduce_sum3A_75 = arith.constant dense<0.000000e+00> : vector<64xf32>
    %reduce_sum3A_76 = vector.multi_reduction <add>, %mul3A_74, %reduce_sum3A_75 [1] : vector<64x128xf32> to vector<64xf32>
    %broadcast_in_dim3A_77 = vector.shape_cast %reduce_sum3A_76 : vector<64xf32> to vector<64x1xf32>
    %dot_general3A_78 = arith.constant dense<0.000000e+00> : vector<64x64xf32>
    %dot_general3A_79 = tpu.matmul %div3A_23, %div3A_23, %dot_general3A_78 {dimension_numbers = #tpu.dot_dimension_numbers<[1], [1], [0], [0], [0, 0, 1, 0], [], []>, precision = #tpu.contract_precision<fp32>, transpose_lhs_hint = false} : vector<64x128xf32>, vector<64x128xf32>, vector<64x64xf32> -> vector<64x64xf32>
    %reshape3A_80 = vector.shape_cast %broadcast_in_dim3A_77 : vector<64x1xf32> to vector<1x64xf32>
    %add3A_81 = vector.broadcast %broadcast_in_dim3A_77 : vector<64x1xf32> to vector<64x64xf32>
    %add3A_82 = vector.broadcast %reshape3A_80 : vector<1x64xf32> to vector<64x64xf32>
    %add3A_83 = arith.addf %add3A_81, %add3A_82 : vector<64x64xf32>
    %mul3A_84 = arith.constant 2.000000e+00 : f32
    %mul3A_85 = vector.broadcast %mul3A_84 : f32 to vector<64x64xf32>
    %mul3A_86 = arith.mulf %mul3A_85, %dot_general3A_79 : vector<64x64xf32>
    %sub3A_87 = arith.subf %add3A_83, %mul3A_86 : vector<64x64xf32>
    %max3A_88 = arith.constant 0.000000e+00 : f32
    %max3A_89 = vector.broadcast %max3A_88 : f32 to vector<64x64xf32>
    %max3A_90 = arith.maximumf %sub3A_87, %max3A_89 : vector<64x64xf32>
    %add3A_91 = arith.addf %max3A_90, %mul3A_54 : vector<64x64xf32>
    %reduce_min3A_92 = arith.constant dense<0x7F800000> : vector<64xf32>
    %reduce_min3A_93 = vector.multi_reduction <minimumf>, %add3A_91, %reduce_min3A_92 [1] : vector<64x64xf32> to vector<64xf32>
    %broadcast_in_dim3A_94 = vector.shape_cast %reduce_min3A_93 : vector<64xf32> to vector<64x1xf32>
    %sqrt3A_95 = math.sqrt %broadcast_in_dim3A_94 : vector<64x1xf32>
    %mul3A_96 = arith.mulf %div3A_26, %div3A_26 : vector<64x128xf32>
    %reduce_sum3A_97 = arith.constant dense<0.000000e+00> : vector<64xf32>
    %reduce_sum3A_98 = vector.multi_reduction <add>, %mul3A_96, %reduce_sum3A_97 [1] : vector<64x128xf32> to vector<64xf32>
    %broadcast_in_dim3A_99 = vector.shape_cast %reduce_sum3A_98 : vector<64xf32> to vector<64x1xf32>
    %dot_general3A_100 = arith.constant dense<0.000000e+00> : vector<64x64xf32>
    %dot_general3A_101 = tpu.matmul %div3A_26, %div3A_26, %dot_general3A_100 {dimension_numbers = #tpu.dot_dimension_numbers<[1], [1], [0], [0], [0, 0, 1, 0], [], []>, precision = #tpu.contract_precision<fp32>, transpose_lhs_hint = false} : vector<64x128xf32>, vector<64x128xf32>, vector<64x64xf32> -> vector<64x64xf32>
    %reshape3A_102 = vector.shape_cast %broadcast_in_dim3A_99 : vector<64x1xf32> to vector<1x64xf32>
    %add3A_103 = vector.broadcast %broadcast_in_dim3A_99 : vector<64x1xf32> to vector<64x64xf32>
    %add3A_104 = vector.broadcast %reshape3A_102 : vector<1x64xf32> to vector<64x64xf32>
    %add3A_105 = arith.addf %add3A_103, %add3A_104 : vector<64x64xf32>
    %mul3A_106 = arith.constant 2.000000e+00 : f32
    %mul3A_107 = vector.broadcast %mul3A_106 : f32 to vector<64x64xf32>
    %mul3A_108 = arith.mulf %mul3A_107, %dot_general3A_101 : vector<64x64xf32>
    %sub3A_109 = arith.subf %add3A_105, %mul3A_108 : vector<64x64xf32>
    %max3A_110 = arith.constant 0.000000e+00 : f32
    %max3A_111 = vector.broadcast %max3A_110 : f32 to vector<64x64xf32>
    %max3A_112 = arith.maximumf %sub3A_109, %max3A_111 : vector<64x64xf32>
    %add3A_113 = arith.addf %max3A_112, %mul3A_54 : vector<64x64xf32>
    %reduce_min3A_114 = arith.constant dense<0x7F800000> : vector<64xf32>
    %reduce_min3A_115 = vector.multi_reduction <minimumf>, %add3A_113, %reduce_min3A_114 [1] : vector<64x64xf32> to vector<64xf32>
    %broadcast_in_dim3A_116 = vector.shape_cast %reduce_min3A_115 : vector<64xf32> to vector<64x1xf32>
    %sqrt3A_117 = math.sqrt %broadcast_in_dim3A_116 : vector<64x1xf32>
    %broadcast_in_dim3A_118 = arith.constant 0.000000e+00 : f32
    %broadcast_in_dim3A_119 = vector.broadcast %broadcast_in_dim3A_118 : f32 to vector<64x1xf32>
    %sub3A_120 = arith.subf %div3A_20, %div3A_23 : vector<64x128xf32>
    %add3A_121 = arith.constant 9.99999993E-9 : f32
    %add3A_122 = vector.broadcast %add3A_121 : f32 to vector<64x128xf32>
    %add3A_123 = arith.addf %sub3A_120, %add3A_122 : vector<64x128xf32>
    %mul3A_124 = arith.mulf %add3A_123, %add3A_123 : vector<64x128xf32>
    %reduce_sum3A_125 = arith.constant dense<0.000000e+00> : vector<64xf32>
    %reduce_sum3A_126 = vector.multi_reduction <add>, %mul3A_124, %reduce_sum3A_125 [1] : vector<64x128xf32> to vector<64xf32>
    %broadcast_in_dim3A_127 = vector.shape_cast %reduce_sum3A_126 : vector<64xf32> to vector<64x1xf32>
    %sqrt3A_128 = math.sqrt %broadcast_in_dim3A_127 : vector<64x1xf32>
    %add3A_129 = arith.constant 3.000000e-01 : f32
    %add3A_130 = vector.broadcast %add3A_129 : f32 to vector<64x1xf32>
    %add3A_131 = arith.addf %add3A_130, %sqrt3A_128 : vector<64x1xf32>
    %sub3A_132 = arith.subf %add3A_131, %sqrt3A : vector<64x1xf32>
    %max3A_133 = arith.constant 0.000000e+00 : f32
    %max3A_134 = vector.broadcast %max3A_133 : f32 to vector<64x1xf32>
    %max3A_135 = arith.maximumf %sub3A_132, %max3A_134 : vector<64x1xf32>
    %add3A_136 = arith.addf %broadcast_in_dim3A_119, %max3A_135 : vector<64x1xf32>
    %sub3A_137 = arith.subf %div3A_20, %div3A_26 : vector<64x128xf32>
    %add3A_138 = arith.constant 9.99999993E-9 : f32
    %add3A_139 = vector.broadcast %add3A_138 : f32 to vector<64x128xf32>
    %add3A_140 = arith.addf %sub3A_137, %add3A_139 : vector<64x128xf32>
    %mul3A_141 = arith.mulf %add3A_140, %add3A_140 : vector<64x128xf32>
    %reduce_sum3A_142 = arith.constant dense<0.000000e+00> : vector<64xf32>
    %reduce_sum3A_143 = vector.multi_reduction <add>, %mul3A_141, %reduce_sum3A_142 [1] : vector<64x128xf32> to vector<64xf32>
    %broadcast_in_dim3A_144 = vector.shape_cast %reduce_sum3A_143 : vector<64xf32> to vector<64x1xf32>
    %sqrt3A_145 = math.sqrt %broadcast_in_dim3A_144 : vector<64x1xf32>
    %add3A_146 = arith.constant 3.000000e-01 : f32
    %add3A_147 = vector.broadcast %add3A_146 : f32 to vector<64x1xf32>
    %add3A_148 = arith.addf %add3A_147, %sqrt3A_145 : vector<64x1xf32>
    %sub3A_149 = arith.subf %add3A_148, %sqrt3A : vector<64x1xf32>
    %max3A_150 = arith.constant 0.000000e+00 : f32
    %max3A_151 = vector.broadcast %max3A_150 : f32 to vector<64x1xf32>
    %max3A_152 = arith.maximumf %sub3A_149, %max3A_151 : vector<64x1xf32>
    %add3A_153 = arith.addf %add3A_136, %max3A_152 : vector<64x1xf32>
    %sub3A_154 = arith.subf %div3A_20, %div3A_29 : vector<64x128xf32>
    %add3A_155 = arith.constant 9.99999993E-9 : f32
    %add3A_156 = vector.broadcast %add3A_155 : f32 to vector<64x128xf32>
    %add3A_157 = arith.addf %sub3A_154, %add3A_156 : vector<64x128xf32>
    %mul3A_158 = arith.mulf %add3A_157, %add3A_157 : vector<64x128xf32>
    %reduce_sum3A_159 = arith.constant dense<0.000000e+00> : vector<64xf32>
    %reduce_sum3A_160 = vector.multi_reduction <add>, %mul3A_158, %reduce_sum3A_159 [1] : vector<64x128xf32> to vector<64xf32>
    %broadcast_in_dim3A_161 = vector.shape_cast %reduce_sum3A_160 : vector<64xf32> to vector<64x1xf32>
    %sqrt3A_162 = math.sqrt %broadcast_in_dim3A_161 : vector<64x1xf32>
    %add3A_163 = arith.constant 3.000000e-01 : f32
    %add3A_164 = vector.broadcast %add3A_163 : f32 to vector<64x1xf32>
    %add3A_165 = arith.addf %add3A_164, %sqrt3A_162 : vector<64x1xf32>
    %sub3A_166 = arith.subf %add3A_165, %sqrt3A : vector<64x1xf32>
    %max3A_167 = arith.constant 0.000000e+00 : f32
    %max3A_168 = vector.broadcast %max3A_167 : f32 to vector<64x1xf32>
    %max3A_169 = arith.maximumf %sub3A_166, %max3A_168 : vector<64x1xf32>
    %add3A_170 = arith.addf %add3A_153, %max3A_169 : vector<64x1xf32>
    %sub3A_171 = arith.subf %div3A_23, %div3A_26 : vector<64x128xf32>
    %add3A_172 = arith.constant 9.99999993E-9 : f32
    %add3A_173 = vector.broadcast %add3A_172 : f32 to vector<64x128xf32>
    %add3A_174 = arith.addf %sub3A_171, %add3A_173 : vector<64x128xf32>
    %mul3A_175 = arith.mulf %add3A_174, %add3A_174 : vector<64x128xf32>
    %reduce_sum3A_176 = arith.constant dense<0.000000e+00> : vector<64xf32>
    %reduce_sum3A_177 = vector.multi_reduction <add>, %mul3A_175, %reduce_sum3A_176 [1] : vector<64x128xf32> to vector<64xf32>
    %broadcast_in_dim3A_178 = vector.shape_cast %reduce_sum3A_177 : vector<64xf32> to vector<64x1xf32>
    %sqrt3A_179 = math.sqrt %broadcast_in_dim3A_178 : vector<64x1xf32>
    %add3A_180 = arith.constant 3.000000e-01 : f32
    %add3A_181 = vector.broadcast %add3A_180 : f32 to vector<64x1xf32>
    %add3A_182 = arith.addf %add3A_181, %sqrt3A_179 : vector<64x1xf32>
    %sub3A_183 = arith.subf %add3A_182, %sqrt3A_95 : vector<64x1xf32>
    %max3A_184 = arith.constant 0.000000e+00 : f32
    %max3A_185 = vector.broadcast %max3A_184 : f32 to vector<64x1xf32>
    %max3A_186 = arith.maximumf %sub3A_183, %max3A_185 : vector<64x1xf32>
    %add3A_187 = arith.addf %add3A_170, %max3A_186 : vector<64x1xf32>
    %sub3A_188 = arith.subf %div3A_23, %div3A_29 : vector<64x128xf32>
    %add3A_189 = arith.constant 9.99999993E-9 : f32
    %add3A_190 = vector.broadcast %add3A_189 : f32 to vector<64x128xf32>
    %add3A_191 = arith.addf %sub3A_188, %add3A_190 : vector<64x128xf32>
    %mul3A_192 = arith.mulf %add3A_191, %add3A_191 : vector<64x128xf32>
    %reduce_sum3A_193 = arith.constant dense<0.000000e+00> : vector<64xf32>
    %reduce_sum3A_194 = vector.multi_reduction <add>, %mul3A_192, %reduce_sum3A_193 [1] : vector<64x128xf32> to vector<64xf32>
    %broadcast_in_dim3A_195 = vector.shape_cast %reduce_sum3A_194 : vector<64xf32> to vector<64x1xf32>
    %sqrt3A_196 = math.sqrt %broadcast_in_dim3A_195 : vector<64x1xf32>
    %add3A_197 = arith.constant 3.000000e-01 : f32
    %add3A_198 = vector.broadcast %add3A_197 : f32 to vector<64x1xf32>
    %add3A_199 = arith.addf %add3A_198, %sqrt3A_196 : vector<64x1xf32>
    %sub3A_200 = arith.subf %add3A_199, %sqrt3A_95 : vector<64x1xf32>
    %max3A_201 = arith.constant 0.000000e+00 : f32
    %max3A_202 = vector.broadcast %max3A_201 : f32 to vector<64x1xf32>
    %max3A_203 = arith.maximumf %sub3A_200, %max3A_202 : vector<64x1xf32>
    %add3A_204 = arith.addf %add3A_187, %max3A_203 : vector<64x1xf32>
    %sub3A_205 = arith.subf %div3A_26, %div3A_29 : vector<64x128xf32>
    %add3A_206 = arith.constant 9.99999993E-9 : f32
    %add3A_207 = vector.broadcast %add3A_206 : f32 to vector<64x128xf32>
    %add3A_208 = arith.addf %sub3A_205, %add3A_207 : vector<64x128xf32>
    %mul3A_209 = arith.mulf %add3A_208, %add3A_208 : vector<64x128xf32>
    %reduce_sum3A_210 = arith.constant dense<0.000000e+00> : vector<64xf32>
    %reduce_sum3A_211 = vector.multi_reduction <add>, %mul3A_209, %reduce_sum3A_210 [1] : vector<64x128xf32> to vector<64xf32>
    %broadcast_in_dim3A_212 = vector.shape_cast %reduce_sum3A_211 : vector<64xf32> to vector<64x1xf32>
    %sqrt3A_213 = math.sqrt %broadcast_in_dim3A_212 : vector<64x1xf32>
    %add3A_214 = arith.constant 3.000000e-01 : f32
    %add3A_215 = vector.broadcast %add3A_214 : f32 to vector<64x1xf32>
    %add3A_216 = arith.addf %add3A_215, %sqrt3A_213 : vector<64x1xf32>
    %sub3A_217 = arith.subf %add3A_216, %sqrt3A_117 : vector<64x1xf32>
    %max3A_218 = arith.constant 0.000000e+00 : f32
    %max3A_219 = vector.broadcast %max3A_218 : f32 to vector<64x1xf32>
    %max3A_220 = arith.maximumf %sub3A_217, %max3A_219 : vector<64x1xf32>
    %add3A_221 = arith.addf %add3A_204, %max3A_220 : vector<64x1xf32>
    %mul3A_222 = arith.mulf %add3A_221, %mul3A : vector<64x1xf32>
    %reduce_sum3A_223 = vector.shape_cast %mul3A_222 : vector<64x1xf32> to vector<1x64x1xf32>
    %reduce_sum3A_224 = arith.constant dense<0.000000e+00> : vector<1xf32>
    %reduce_sum3A_225 = vector.multi_reduction <add>, %reduce_sum3A_223, %reduce_sum3A_224 [1, 2] : vector<1x64x1xf32> to vector<1xf32>
    %reduce_sum3A_226 = vector.shape_cast %reduce_sum3A_225 : vector<1xf32> to vector<1x1x1xf32>
    %reduce_sum3A_227 = vector.extract %reduce_sum3A_226[0, 0, 0] : f32 from vector<1x1x1xf32>
    %gt3A = arith.constant 1.000000e+00 : f32
    %gt3A_228 = arith.cmpf ogt, %reduce_sum3A_34, %gt3A : f32
    %jit3A = arith.constant 0.000000e+00 : f32
    %select_n3A = arith.select %gt3A_228, %reduce_sum3A_34, %jit3A : f32
    %mul3A_229 = arith.constant 6.000000e+00 : f32
    %mul3A_230 = arith.mulf %mul3A_229, %select_n3A : f32
    %max3A_231 = arith.constant 1.000000e+00 : f32
    %max3A_232 = arith.maximumf %mul3A_230, %max3A_231 : f32
    %gt3A_233 = arith.constant 0.000000e+00 : f32
    %gt3A_234 = arith.cmpf ogt, %mul3A_230, %gt3A_233 : f32
    %div3A_235 = arith.divf %reduce_sum3A_227, %max3A_232 : f32
    %jit3A_236 = arith.constant 0.000000e+00 : f32
    %select_n3A_237 = arith.select %gt3A_234, %div3A_235, %jit3A_236 : f32
    %reshape3A_238 = vector.broadcast %select_n3A_237 : f32 to vector<1x1xf32>
    %swap3A = arith.constant 0 : index
    %swap3A_239 = arith.constant 0 : index
    %swap3A_240 = vector.load %arg2[%swap3A, %swap3A_239] : memref<1x1xf32, #tpu.memory_space<vmem>>, vector<1x1xf32>
    tpu.vector_store %arg2[%swap3A, %swap3A_239], %reshape3A_238 {strides = array<i32>} : memref<1x1xf32, #tpu.memory_space<vmem>>, vector<1x1xf32>,
    return
  }
}

</mosaic_0001>

<sc_bundles>
// kernel: kernel.4.cloned.1.call-start
scs
__scs_entry_jumppad:
0x0: {  	(pc) =	sbr.rel $0x88, $3  }
0x1: {  	(tag) =	ssettag $0x0;
	lr =	simm.s32 $0x1  }
0x2: {  	[smem:$0x3F9F] =	sst lr;
	_ =	strace $0xD0000000  }
0x3: {  	_ = 	snop  }
0x4: {  	_ = 	snop  }
0x5: {  	_ = 	snop  }
0x6: {  	_ = 	snop  }
0x7: {  	_ = 	snop  }
__scs_overlays_trampoline_lowered:
0x8: {  	[smem:$0x3FAE] =	sst s0  }
0x9: {  	[smem:$0x3FAF] =	sst s1  }
0xa: {  	[smem:$0x3FB0] =	sst s2  }
0xb: {  	[smem:$0x3FB1] =	sst s3  }
0xc: {  	[smem:$0x3FB2] =	sst s4  }
0xd: {  	[smem:$0x3FB3] =	sst s5  }
0xe: {  	[smem:$0x3FB4] =	sst s6  }
0xf: {  	[smem:$0x3FB5] =	sst s7  }
0x10: {  	[smem:$0x3FB6] =	sst s8  }
0x11: {  	[smem:$0x3FB7] =	sst s9;
	s0 =	simm.s32 @!p0 $0x0  }
0x12: {  	s1 =	sld [smem:$0x3F9D];
	s0 =	simm.s32 @p0 $0x1  }
0x13: {  	[smem:$0x3FB8] =	sst s0;
	s0 =	simm.s32 @!p1 $0x0  }
0x14: {  	s2 =	sld [smem:$0x3F9C];
	s0 =	simm.s32 @p1 $0x1  }
0x15: {  	[smem:$0x3FB9] =	sst s0;
	s0 =	simm.s32 @!p2 $0x0  }
0x16: {  	s3 =	sld [smem:$0x3FDB];
	s0 =	simm.s32 @p2 $0x1  }
0x17: {  	s4 =	simm.s32 $0x1BF5;
	[smem:$0x3FBB] =	sst s0  }
0x18: {  	s0 =	sld [smem:$0x3F9E];
	_ =	swait.ge [sflag:s4], $0x0  }
0x19: {  	s7 =	sld [smem:$0x3F9F]  }
0x1a: {  	s8 =	sadd.s32 $0xFFFFE003, lr  }
0x1b: {  	s9 =	sadd.s32 $0xFFFFFEF7, lr;
	s5 =	simm.s32 $0xFFFFFFFF;
	p2 =	slt.u32 s8, $0xFFFFF086  }
0x1c: {  	p1 =	slt.u32 s9, $0xF7A;
	s5 =	simm.s32 @!p2 $0x0  }
0x1d: {  	s5 =	simm.s32 @p1 $0x1;
	p0 =	seq.s32 s7, s2  }
0x1e: {  	s7 =	smul.u32 @!p0 $0xF7A, s2;
	p2 =	seq.s32 @!p0 s5, $0x0  }
0x1f: {  	s9 =	smul.u32 $0xF7A, s1;
	s8 =	simm.s32 @!p0 $0x1BF5;
	p2 =	por !p2, p0  }
0x20: {  	[sflag:s8] =	ssyncset.s32 @!p0 $0xFFFFF086;
	s6 =	sadd.s32 @!p0 s3, s7;
	s7 =	simm.s32 @!p0 $0x108  }
0x21: {  	s3 =	sadd.s32 s3, s9;
	s6 =	sadd.s32 @!p0 $0x88, s6;
	s7 =	simm.s32 @p2 $0x1082  }
0x22: {  	[simem:s7], [sflag:s8] =	dma.local @!p0 [hbm:s6], $0xF7A  }
0x23: {  	s9 =	sor.u32 $0xD0000000, s2;
	s6 =	simm.s32 $0x108;
	_ =	swait.ge @!p0 [sflag:s8], $0x0  }
0x24: {  	s3 =	sadd.s32 $0x88, s3;
	s6 =	simm.s32 @!p1 $0x1082;
	[sflag:s4] =	ssyncset.s32 $0xFFFFF086  }
0x25: {  	[simem:s6], [sflag:s4] =	dma.local [hbm:s3], $0xF7A  }
0x26: {  	[smem:$0x3F9F] =	sst s1;
	(tag) =	ssettag s2;
	_ =	strace s9  }
0x27: {  	s1 =	sld [smem:$0x3FAF]  }
0x28: {  	s2 =	sld [smem:$0x3FB0]  }
0x29: {  	s4 =	sld [smem:$0x3FB2]  }
0x2a: {  	p0 =	seq.s32 s5, $0x0;
	s5 =	sld [smem:$0x3FB3]  }
0x2b: {  	s6 =	sld [smem:$0x3FB4]  }
0x2c: {  	s7 =	sld [smem:$0x3FB5]  }
0x2d: {  	s3 =	simm.s32 $0x108;
	s8 =	sld [smem:$0x3FB6]  }
0x2e: {  	s3 =	simm.s32 @!p0 $0x1082;
	s9 =	sld [smem:$0x3FB7]  }
0x2f: {  	lr =	sadd.s32 s0, s3;
	s0 =	sld [smem:$0x3FAE]  }
0x30: {  	s3 =	sld [smem:$0x3FB1]  }
0x31: {  	[smem:$0x3FBA] =	sst s10  }
0x32: {  	s10 =	sld [smem:$0x3FB8];
	_ =	sdelay $0x3  }
0x33: {  	p0 =	seq.s32 s10, $0x1;
	s10 =	sld [smem:$0x3FBA];
	_ =	sdelay $0x3  }
0x34: {  	[smem:$0x3FBA] =	sst s10  }
0x35: {  	s10 =	sld [smem:$0x3FB9];
	_ =	sdelay $0x3  }
0x36: {  	p1 =	seq.s32 s10, $0x1;
	s10 =	sld [smem:$0x3FBA];
	_ =	sdelay $0x3  }
0x37: {  	[smem:$0x3FBA] =	sst s10  }
0x38: {  	s10 =	sld [smem:$0x3FBB]  }
0x39: {  	_ = 	snop;
	(pc) =	sbr.ind lr, $3  }
0x3a: {  	_ = 	snop  }
0x3b: {  	_ = 	snop  }
0x3c: {  	p2 =	seq.s32 s10, $0x1;
	s10 =	sld [smem:$0x3FBA]  }
0x3d: {  	_ =	shalt  }
0x3e: {  	_ =	shalt  }
0x3f: {  	_ =	shalt  }
0x40: {  	_ =	shalt  }
0x41: {  	_ =	shalt  }
0x42: {  	_ =	shalt  }
0x43: {  	_ =	shalt  }
0x44: {  	_ =	shalt  }
0x45: {  	_ =	shalt  }
0x46: {  	_ =	shalt  }
0x47: {  	_ =	shalt  }
0x48: {  	_ =	shalt  }
0x49: {  	_ =	shalt  }
0x4a: {  	_ =	shalt  }
0x4b: {  	_ =	shalt  }
0x4c: {  	_ =	shalt  }
0x4d: {  	_ =	shalt  }
0x4e: {  	_ =	shalt  }
0x4f: {  	_ =	shalt  }
0x50: {  	_ =	shalt  }
0x51: {  	_ =	shalt  }
0x52: {  	_ =	shalt  }
0x53: {  	_ =	shalt  }
0x54: {  	_ =	shalt  }
0x55: {  	_ =	shalt  }
0x56: {  	_ =	shalt  }
0x57: {  	_ =	shalt  }
0x58: {  	_ =	shalt  }
0x59: {  	_ =	shalt  }
0x5a: {  	_ =	shalt  }
0x5b: {  	_ =	shalt  }
0x5c: {  	_ =	shalt  }
0x5d: {  	_ =	shalt  }
0x5e: {  	_ =	shalt  }
0x5f: {  	_ =	shalt  }
0x60: {  	_ =	shalt  }
0x61: {  	_ =	shalt  }
0x62: {  	_ =	shalt  }
0x63: {  	_ =	shalt  }
0x64: {  	_ =	shalt  }
0x65: {  	_ =	shalt  }
0x66: {  	_ =	shalt  }
0x67: {  	_ =	shalt  }
0x68: {  	_ =	shalt  }
0x69: {  	_ =	shalt  }
0x6a: {  	_ =	shalt  }
0x6b: {  	_ =	shalt  }
0x6c: {  	_ =	shalt  }
0x6d: {  	_ =	shalt  }
0x6e: {  	_ =	shalt  }
0x6f: {  	_ =	shalt  }
0x70: {  	_ =	shalt  }
0x71: {  	_ =	shalt  }
0x72: {  	_ =	shalt  }
0x73: {  	_ =	shalt  }
0x74: {  	_ =	shalt  }
0x75: {  	_ =	shalt  }
0x76: {  	_ =	shalt  }
0x77: {  	_ =	shalt  }
0x78: {  	_ =	shalt  }
0x79: {  	_ =	shalt  }
0x7a: {  	_ =	shalt  }
0x7b: {  	_ =	shalt  }
0x7c: {  	_ =	shalt  }
0x7d: {  	_ =	shalt  }
0x7e: {  	_ =	shalt  }
0x7f: {  	_ =	shalt  }
0x80: {  	_ =	shalt  }
0x81: {  	_ =	shalt  }
0x82: {  	_ =	shalt  }
0x83: {  	_ =	shalt  }
0x84: {  	_ =	shalt  }
0x85: {  	_ =	shalt  }
0x86: {  	_ =	shalt  }
0x87: {  	_ =	shalt  }
.Lfunc_end0:
.L_simem_size_0:
called_computation_lowered:
.L_overlay_start_0:
0x88: {  	s2 =	sld [smem:$0x3FD9]  }
0x89: {  	s3 =	sld [smem:$0x3FFE];
	_ =	sdelay $0x1  }
0x8a: {  	s1 =	srdreg.scid  }
0x8b: {  	s0 =	sand.u32 $0x1, s1  }
0x8c: {  	s17 =	sshll.u32 s0, $0xA;
	s2 =	sadd.s32 s3, s2  }
0x8d: {  	s2 =	sadd.s32 s2, s17  }
0x8e: {  	[smem:$0x3FC6] =	sst s2  }
0x8f: {  	_ = 	snop  }
0x90: {  	s2 =	sld [smem:$0x3FC9]  }
0x91: {  	s18 =	sld [smem:$0x3FC8];
	(tm) =	ssettm $0x1  }
0x92: {  	s4 =	sld [smem:$0x3FFB];
	_ =	sdelay $0x3  }
0x93: {  	_ =	strace s4  }
0x94: {  	s4 =	sld [smem:$0x3FFC];
	_ =	sdelay $0x3  }
0x95: {  	_ =	strace s4  }
0x96: {  	s4 =	sld [smem:$0x3FFD];
	_ =	sdelay $0x3  }
0x97: {  	_ =	strace s4  }
0x98: {  	_ =	strace $0x8FFFFFFF  }
0x99: {  	s19 =	sld [smem:$0x3FDB];
	_ =	sdelay $0x1  }
0x9a: {  	s5 =	simm.s32 $_scs_section_size  }
0x9b: {  	s6 =	simm.s32 $_size__tile_overlayer_lowered;
	s7 =	simm.s32 $_tile_overlayer_lowered  }
0x9c: {  	s22 =	simm.s32 $0x1BFF;
	s21 =	sshll.u32 s7, $0x1;
	s4 =	sadd.s32 s5, s19  }
0x9d: {  	s8 =	simm.s32 $0x0;
	s20 =	sshll.u32 s6, $0x1;
	s6 =	sadd.s32 s21, s4  }
0x9e: {  	[timem:s8], [sflag:s22] =	dma.local [hbm:s6], s20  }
0x9f: {  	_ =	swait.ge [sflag:s22], s20  }
0xa0: {  	s5 =	ssub.s32 $0x0, s20;
	[sflag:s22] =	ssyncset.done $0x0  }
0xa1: {  	[sflag:s22] =	ssyncadd.s32 s5;
	_ =	sdelay $0x1  }
0xa2: {  	s23 =	simm.s32 $0x1B8B  }
0xa3: {  	_ =	swait.ge [sflag:s23], $0x1  }
0xa4: {  	[sflag:s23] =	ssyncset.done $0x0  }
0xa5: {  	s25 =	simm.s32 $0x1B8E;
	s24 =	sld [smem:$0x3FFE];
	[sflag:s23] =	ssyncadd.s32 $0xFFFFFFFF  }
0xa6: {  	s26 =	simm.s32 $execute0_lowered;
	[smem:$0x3FD2] =	sst s25  }
0xa7: {  	s6 =	sshll.u32 s26, $0x1;
	_ =	strace $0x80000046;
	[dreg:$0x1] =	wrdreg $0xFFFFFFFF  }
0xa8: {  	s28 =	simm.s32 $_size_execute0_lowered;
	s4 =	sadd.s32 s4, s6;
	[dreg:$0x0] =	wrdreg $0x0  }
0xa9: {  	s6 =	sshll.u32 s28, $0x1;
	[dreg:$0x2] =	wrdreg s4  }
0xaa: {  	[dreg:$0x3] =	wrdreg s6  }
0xab: {  	[dreg:$0x4] =	wrdreg $0xC0  }
0xac: {  	_ =	task [dreg:s8], $0x5FFFF  }
0xad: {  	[dreg:$0x1] =	wrdreg $0xFFFFFFFF  }
0xae: {  	[dreg:$0x0] =	wrdreg $0x60  }
0xaf: {  	[dreg:$0x2] =	wrdreg s2  }
0xb0: {  	[dreg:$0x3] =	wrdreg s18  }
0xb1: {  	[dreg:$0x4] =	wrdreg s24  }
0xb2: {  	[dreg:$0x5] =	wrdreg $0x10C000  }
0xb3: {  	[dreg:$0x6] =	wrdreg $0x9  }
0xb4: {  	_ =	task.clear_ibuf [dreg:s8], $0x7FFFF;
	_ =	strace $0x90000046  }
0xb5: {  	s29 =	simm.s32 $0x9;
	_ =	strace $0x80000048  }
0xb6: {  	_ =	swait.ge [sflag:s29], $0x1  }
0xb7: {  	[sflag:s29] =	ssyncadd.s32 $0xFFFFFFFF  }
0xb8: {  	_ =	strace $0x90000048  }
0xb9: {  	_ =	sfence  }
0xba: {  	s30 =	sld [smem:$0x0];
	_ =	sdelay $0x2  }
0xbb: {  	s31 =	sshll.u32 s1, $0xD;
	s1 =	sshrl.u32 s1, $0x2  }
0xbc: {  	s3 =	sand.u32 $0x4000, s31;
	s1 =	sadd.s32 s1, s30  }
0xbd: {  	s0 =	sor.u32 s3, s0;
	s1 =	sshll.u32 s1, $0x11  }
0xbe: {  	s0 =	sor.u32 s1, s0  }
0xbf: {  	s0 =	sadd.s32 $0x8F2B, s0  }
0xc0: {  	[sflag:s0] =	ssyncadd.remote.s32 $0x1  }
0xc1: {  	_ =	sfence.sel $0xFFFF  }
0xc2: {  	[dreg:$0x0] =	wrdreg $0xFFFFFFFF;
	(pc) =	sbr.abs _section_cstart, $3  }
0xc3: {  	[dreg:$0x1] =	wrdreg $0xFFFFFFFF  }
0xc4: {  	_ =	task.clear_ibuf [dreg:s8], $0x2FFFF;
	_ =	strace $0x9FFFFFFF  }
0xc5: {  	(tm) =	ssettm $0x7FFFFFFF  }
tec
execute0_lowered:
.L_overlay_start_1:
0x0: {  	(tag) =	ssettag $0x1  }
0x1: {  	s3 =	rddreg [dreg:$0x0]  }
0x2: {  	s4 =	rddreg [dreg:$0x1]  }
0x3: {  	s5 =	rddreg [dreg:$0x2]  }
0x4: {  	s1 =	rddreg [dreg:$0x3]  }
0x5: {  	s0 =	rddreg [dreg:$0x4]  }
0x6: {  	s2 =	simm.s32 $0x0;
	s6 =	srdreg.scid;
	s10 =	stileid.u32  }
0x7: {  	s13 =	simm.s32 $0xC000;
	s14 =	simm.s32 $0x10400;
	s15 =	simm.s32 $0x7  }
0x8: {  	s16 =	simm.s32 $0x1;
	s17 =	simm.s32 $0x2;
	s18 =	simm.s32 $0x80  }
0x9: {  	s19 =	simm.s32 $0x10200;
	s20 =	simm.s32 $0x3;
	s21 =	simm.s32 $0x10280  }
0xa: {  	s22 =	simm.s32 $0x4;
	s23 =	simm.s32 $0x10300;
	s25 =	simm.s32 $0x10380  }
0xb: {  	s26 =	simm.s32 $0x6;
	[smem:$0x7FF] =	sst s2;
	s6 =	sand.u32 $0x1, s6  }
0xc: {  	s7 =	sshll.u32 s10, $0x1;
	s9 =	sshrl.u32 s10, $0x2;
	s31 =	sshll.u32 s10, $0xB  }
0xd: {  	p0 =	sne.s32 s10, $0x0;
	s10 =	simm.s32 $0x10000;
	_ =	strace $0x80000047  }
0xe: {  	s8 =	sshll.u32 s6, $0xC;
	s7 =	sand.u32 $0x6, s7;
	s29 =	sshll.u32 s9, $0x10  }
0xf: {  	s24 =	sshll.u32 s9, $0x6;
	s8 =	sadd.s32 s8, s5;
	s28 =	sor.u32 s6, s7  }
0x10: {  	s6 =	ssub.s32 $0x2, s6;
	v0 =	vmov s24;
	s24 =	simm.s32 $0x5;
	s11 =	sshll.u32 s28, $0xD  }
0x11: {  	s12 =	sshrl.u32 s6, $0x1;
	s5 =	sshll.u32 s28, $0x6;
	s8 =	sadd.s32 $0x800, s8  }
0x12: {  	s7 =	sor.u32 s29, s11;
	s30 =	ssub.s32 s6, s12;
	s4 =	sadd.s32 s4, s5  }
0x13: {  	s11 =	simm.s32 $0x4000;
	s12 =	simm.s32 $0x8000;
	s3 =	sadd.s32 s3, s7  }
0x14: {  	[dreg:$0x5] =	wrdreg s4;
	s7 =	sadd.s32 s31, s1;
	s9 =	smax.u32 s30, $0x1  }
0x15: {  	v1 =	vimm.f32 $0.0e+00;
	s4 =	sadd.s32 $0x800, s3;
	s5 =	sadd.s32 $0x1000, s3;
	s6 =	sadd.s32 $0x1800, s3  }
.LBB2_1:
0x16: {  	s28 =	rddreg [dreg:$0x5]  }
0x17: {  	[tilespmem:s10], [sflag:$0x1] =	stream.linear.gather [hbm4b:s28+s2], $0x200, $0x38;
	[tilespmem:$0x11400] =	vst v63  }
0x18: {  	_ = 	snop  }
0x19: {  	[tilespmem:s2], [sflag:$0x2] =	stream.linear.gather [hbm4b:s3+s2], $0x4000, $0x38;
	[tilespmem:$0x11400] =	vst v63  }
0x1a: {  	_ = 	snop  }
0x1b: {  	[tilespmem:s11], [sflag:$0x3] =	stream.linear.gather [hbm4b:s4+s2], $0x4000, $0x38;
	[tilespmem:$0x11400] =	vst v63  }
0x1c: {  	_ = 	snop  }
0x1d: {  	[tilespmem:s12], [sflag:$0x4] =	stream.linear.gather [hbm4b:s5+s2], $0x4000, $0x38;
	[tilespmem:$0x11400] =	vst v63  }
0x1e: {  	_ = 	snop  }
0x1f: {  	[tilespmem:s13], [sflag:$0x5] =	stream.linear.gather [hbm4b:s6+s2], $0x4000, $0x38;
	[tilespmem:$0x11400] =	vst v63  }
0x20: {  	[tilespmem:$0x10400] =	vst v1  }
0x21: {  	[tilespmem:$0x10410] =	vst v1  }
0x22: {  	[tilespmem:$0x10420] =	vst v1  }
0x23: {  	[tilespmem:$0x10430] =	vst v1  }
0x24: {  	[tilespmem:$0x10440] =	vst v1  }
0x25: {  	[tilespmem:$0x10450] =	vst v1  }
0x26: {  	[tilespmem:$0x10460] =	vst v1  }
0x27: {  	[tilespmem:$0x10470] =	vst v1  }
0x28: {  	[tilespmem:$0x10480] =	vst v1  }
0x29: {  	[tilespmem:$0x10490] =	vst v1  }
0x2a: {  	[tilespmem:$0x104A0] =	vst v1  }
0x2b: {  	[tilespmem:$0x104B0] =	vst v1  }
0x2c: {  	[tilespmem:$0x104C0] =	vst v1  }
0x2d: {  	[tilespmem:$0x104D0] =	vst v1  }
0x2e: {  	[tilespmem:$0x104E0] =	vst v1  }
0x2f: {  	[tilespmem:$0x104F0] =	vst v1  }
0x30: {  	[tilespmem:$0x10500] =	vst v1  }
0x31: {  	[tilespmem:$0x10510] =	vst v1  }
0x32: {  	[tilespmem:$0x10520] =	vst v1  }
0x33: {  	[tilespmem:$0x10530] =	vst v1  }
0x34: {  	[tilespmem:$0x10540] =	vst v1  }
0x35: {  	[tilespmem:$0x10550] =	vst v1  }
0x36: {  	[tilespmem:$0x10560] =	vst v1  }
0x37: {  	[tilespmem:$0x10570] =	vst v1  }
0x38: {  	[tilespmem:$0x10580] =	vst v1  }
0x39: {  	[tilespmem:$0x10590] =	vst v1  }
0x3a: {  	[tilespmem:$0x105A0] =	vst v1  }
0x3b: {  	[tilespmem:$0x105B0] =	vst v1  }
0x3c: {  	[tilespmem:$0x105C0] =	vst v1  }
0x3d: {  	[tilespmem:$0x105D0] =	vst v1  }
0x3e: {  	[tilespmem:$0x105E0] =	vst v1  }
0x3f: {  	[tilespmem:$0x105F0] =	vst v1  }
0x40: {  	[tilespmem:$0x10600] =	vst v1  }
0x41: {  	[tilespmem:$0x10610] =	vst v1  }
0x42: {  	[tilespmem:$0x10620] =	vst v1  }
0x43: {  	[tilespmem:$0x10630] =	vst v1  }
0x44: {  	[tilespmem:$0x10640] =	vst v1  }
0x45: {  	[tilespmem:$0x10650] =	vst v1  }
0x46: {  	[tilespmem:$0x10660] =	vst v1  }
0x47: {  	[tilespmem:$0x10670] =	vst v1  }
0x48: {  	[tilespmem:$0x10680] =	vst v1  }
0x49: {  	[tilespmem:$0x10690] =	vst v1  }
0x4a: {  	[tilespmem:$0x106A0] =	vst v1  }
0x4b: {  	[tilespmem:$0x106B0] =	vst v1  }
0x4c: {  	[tilespmem:$0x106C0] =	vst v1  }
0x4d: {  	[tilespmem:$0x106D0] =	vst v1  }
0x4e: {  	[tilespmem:$0x106E0] =	vst v1  }
0x4f: {  	[tilespmem:$0x106F0] =	vst v1  }
0x50: {  	[tilespmem:$0x10700] =	vst v1  }
0x51: {  	[tilespmem:$0x10710] =	vst v1  }
0x52: {  	[tilespmem:$0x10720] =	vst v1  }
0x53: {  	[tilespmem:$0x10730] =	vst v1  }
0x54: {  	[tilespmem:$0x10740] =	vst v1  }
0x55: {  	[tilespmem:$0x10750] =	vst v1  }
0x56: {  	[tilespmem:$0x10760] =	vst v1  }
0x57: {  	[tilespmem:$0x10770] =	vst v1  }
0x58: {  	[tilespmem:$0x10780] =	vst v1  }
0x59: {  	[tilespmem:$0x10790] =	vst v1  }
0x5a: {  	[tilespmem:$0x107A0] =	vst v1  }
0x5b: {  	[tilespmem:$0x107B0] =	vst v1  }
0x5c: {  	[tilespmem:$0x107C0] =	vst v1  }
0x5d: {  	[tilespmem:$0x107D0] =	vst v1  }
0x5e: {  	[tilespmem:$0x107E0] =	vst v1  }
0x5f: {  	[tilespmem:$0x107F0] =	vst v1  }
0x60: {  	[tilespmem:$0x10800] =	vst v1  }
0x61: {  	[tilespmem:$0x10810] =	vst v1  }
0x62: {  	[tilespmem:$0x10820] =	vst v1  }
0x63: {  	[tilespmem:$0x10830] =	vst v1  }
0x64: {  	[tilespmem:$0x10840] =	vst v1  }
0x65: {  	[tilespmem:$0x10850] =	vst v1  }
0x66: {  	[tilespmem:$0x10860] =	vst v1  }
0x67: {  	[tilespmem:$0x10870] =	vst v1  }
0x68: {  	[tilespmem:$0x10880] =	vst v1  }
0x69: {  	[tilespmem:$0x10890] =	vst v1  }
0x6a: {  	[tilespmem:$0x108A0] =	vst v1  }
0x6b: {  	[tilespmem:$0x108B0] =	vst v1  }
0x6c: {  	[tilespmem:$0x108C0] =	vst v1  }
0x6d: {  	[tilespmem:$0x108D0] =	vst v1  }
0x6e: {  	[tilespmem:$0x108E0] =	vst v1  }
0x6f: {  	[tilespmem:$0x108F0] =	vst v1  }
0x70: {  	[tilespmem:$0x10900] =	vst v1  }
0x71: {  	[tilespmem:$0x10910] =	vst v1  }
0x72: {  	[tilespmem:$0x10920] =	vst v1  }
0x73: {  	[tilespmem:$0x10930] =	vst v1  }
0x74: {  	[tilespmem:$0x10940] =	vst v1  }
0x75: {  	[tilespmem:$0x10950] =	vst v1  }
0x76: {  	[tilespmem:$0x10960] =	vst v1  }
0x77: {  	[tilespmem:$0x10970] =	vst v1  }
0x78: {  	[tilespmem:$0x10980] =	vst v1  }
0x79: {  	[tilespmem:$0x10990] =	vst v1  }
0x7a: {  	[tilespmem:$0x109A0] =	vst v1  }
0x7b: {  	[tilespmem:$0x109B0] =	vst v1  }
0x7c: {  	[tilespmem:$0x109C0] =	vst v1  }
0x7d: {  	[tilespmem:$0x109D0] =	vst v1  }
0x7e: {  	[tilespmem:$0x109E0] =	vst v1  }
0x7f: {  	[tilespmem:$0x109F0] =	vst v1  }
0x80: {  	[tilespmem:$0x10A00] =	vst v1  }
0x81: {  	[tilespmem:$0x10A10] =	vst v1  }
0x82: {  	[tilespmem:$0x10A20] =	vst v1  }
0x83: {  	[tilespmem:$0x10A30] =	vst v1  }
0x84: {  	[tilespmem:$0x10A40] =	vst v1  }
0x85: {  	[tilespmem:$0x10A50] =	vst v1  }
0x86: {  	[tilespmem:$0x10A60] =	vst v1  }
0x87: {  	[tilespmem:$0x10A70] =	vst v1  }
0x88: {  	[tilespmem:$0x10A80] =	vst v1  }
0x89: {  	[tilespmem:$0x10A90] =	vst v1  }
0x8a: {  	[tilespmem:$0x10AA0] =	vst v1  }
0x8b: {  	[tilespmem:$0x10AB0] =	vst v1  }
0x8c: {  	[tilespmem:$0x10AC0] =	vst v1  }
0x8d: {  	[tilespmem:$0x10AD0] =	vst v1  }
0x8e: {  	[tilespmem:$0x10AE0] =	vst v1  }
0x8f: {  	[tilespmem:$0x10AF0] =	vst v1  }
0x90: {  	[tilespmem:$0x10B00] =	vst v1  }
0x91: {  	[tilespmem:$0x10B10] =	vst v1  }
0x92: {  	[tilespmem:$0x10B20] =	vst v1  }
0x93: {  	[tilespmem:$0x10B30] =	vst v1  }
0x94: {  	[tilespmem:$0x10B40] =	vst v1  }
0x95: {  	[tilespmem:$0x10B50] =	vst v1  }
0x96: {  	[tilespmem:$0x10B60] =	vst v1  }
0x97: {  	[tilespmem:$0x10B70] =	vst v1  }
0x98: {  	[tilespmem:$0x10B80] =	vst v1  }
0x99: {  	[tilespmem:$0x10B90] =	vst v1  }
0x9a: {  	[tilespmem:$0x10BA0] =	vst v1  }
0x9b: {  	[tilespmem:$0x10BB0] =	vst v1  }
0x9c: {  	[tilespmem:$0x10BC0] =	vst v1  }
0x9d: {  	[tilespmem:$0x10BD0] =	vst v1  }
0x9e: {  	[tilespmem:$0x10BE0] =	vst v1  }
0x9f: {  	[tilespmem:$0x10BF0] =	vst v1  }
0xa0: {  	[spmem:s7] =	stream.linear.scatter [tilespmem:s14], [sflag:$0x7], $0x800, $0x38;
	[tilespmem:$0x11400] =	vst v63  }
0xa1: {  	_ =	swait.ge [sflag:s15], $0x800  }
0xa2: {  	[sflag:s15] =	ssyncset.done $0x0  }
0xa3: {  	[sflag:s15] =	ssyncadd.s32 $0xFFFFF800  }
0xa4: {  	_ =	swait.ge [sflag:s16], $0x200  }
0xa5: {  	[sflag:s16] =	ssyncset.done $0x0  }
0xa6: {  	[sflag:s16] =	ssyncadd.s32 $0xFFFFFE00  }
0xa7: {  	v2 =	vld [tilespmem:$0x10000]  }
0xa8: {  	v3 =	vld [tilespmem:$0x10010]  }
0xa9: {  	v4 =	vld [tilespmem:$0x10020]  }
0xaa: {  	v5 =	vld [tilespmem:$0x10030]  }
0xab: {  	v6 =	vld [tilespmem:$0x10040]  }
0xac: {  	v7 =	vld [tilespmem:$0x10050];
	v2 =	vadd.s32 v0, v2  }
0xad: {  	[tilespmem:$0x10200] =	vst v2;
	v2 =	vadd.s32 v0, v3;
	v3 =	vld [tilespmem:$0x10060]  }
0xae: {  	v44 =	vld [tilespmem:$0x10070];
	[tilespmem:$0x10210] =	vst v2;
	v2 =	vadd.s32 v0, v4  }
0xaf: {  	v45 =	vld [tilespmem:$0x10080];
	[tilespmem:$0x10220] =	vst v2;
	v2 =	vadd.s32 v0, v5  }
0xb0: {  	v46 =	vld [tilespmem:$0x10090];
	[tilespmem:$0x10230] =	vst v2;
	v2 =	vadd.s32 v0, v6  }
0xb1: {  	v47 =	vld [tilespmem:$0x100A0];
	[tilespmem:$0x10240] =	vst v2;
	v2 =	vadd.s32 v0, v7  }
0xb2: {  	[tilespmem:$0x10250] =	vst v2;
	v2 =	vadd.s32 v0, v3;
	v3 =	vld [tilespmem:$0x100B0]  }
0xb3: {  	v48 =	vld [tilespmem:$0x100C0];
	[tilespmem:$0x10260] =	vst v2;
	v2 =	vadd.s32 v0, v44  }
0xb4: {  	v49 =	vld [tilespmem:$0x100D0];
	[tilespmem:$0x10270] =	vst v2;
	v2 =	vadd.s32 v0, v45  }
0xb5: {  	v50 =	vld [tilespmem:$0x100E0];
	[tilespmem:$0x10280] =	vst v2;
	v2 =	vadd.s32 v0, v46  }
0xb6: {  	v51 =	vld [tilespmem:$0x100F0];
	[tilespmem:$0x10290] =	vst v2;
	v2 =	vadd.s32 v0, v47  }
0xb7: {  	[tilespmem:$0x102A0] =	vst v2;
	v2 =	vadd.s32 v0, v3;
	v3 =	vld [tilespmem:$0x10100]  }
0xb8: {  	v52 =	vld [tilespmem:$0x10110];
	[tilespmem:$0x102B0] =	vst v2;
	v2 =	vadd.s32 v0, v48  }
0xb9: {  	v53 =	vld [tilespmem:$0x10120];
	[tilespmem:$0x102C0] =	vst v2;
	v2 =	vadd.s32 v0, v49  }
0xba: {  	v54 =	vld [tilespmem:$0x10130];
	[tilespmem:$0x102D0] =	vst v2;
	v2 =	vadd.s32 v0, v50  }
0xbb: {  	v55 =	vld [tilespmem:$0x10140];
	[tilespmem:$0x102E0] =	vst v2;
	v2 =	vadd.s32 v0, v51  }
0xbc: {  	[tilespmem:$0x102F0] =	vst v2;
	v2 =	vadd.s32 v0, v3;
	v3 =	vld [tilespmem:$0x10150]  }
0xbd: {  	v56 =	vld [tilespmem:$0x10160];
	[tilespmem:$0x10300] =	vst v2;
	v2 =	vadd.s32 v0, v52  }
0xbe: {  	v57 =	vld [tilespmem:$0x10170];
	[tilespmem:$0x10310] =	vst v2;
	v2 =	vadd.s32 v0, v53  }
0xbf: {  	v58 =	vld [tilespmem:$0x10180];
	[tilespmem:$0x10320] =	vst v2;
	v2 =	vadd.s32 v0, v54  }
0xc0: {  	v59 =	vld [tilespmem:$0x10190];
	[tilespmem:$0x10330] =	vst v2;
	v2 =	vadd.s32 v0, v55  }
0xc1: {  	[tilespmem:$0x10340] =	vst v2;
	v2 =	vadd.s32 v0, v3;
	v3 =	vld [tilespmem:$0x101A0]  }
0xc2: {  	v60 =	vld [tilespmem:$0x101B0];
	[tilespmem:$0x10350] =	vst v2;
	v2 =	vadd.s32 v0, v56  }
0xc3: {  	v61 =	vld [tilespmem:$0x101C0];
	[tilespmem:$0x10360] =	vst v2;
	v2 =	vadd.s32 v0, v57  }
0xc4: {  	v62 =	vld [tilespmem:$0x101D0];
	[tilespmem:$0x10370] =	vst v2;
	v2 =	vadd.s32 v0, v58  }
0xc5: {  	v63 =	vld [tilespmem:$0x101E0];
	[tilespmem:$0x10380] =	vst v2;
	v2 =	vadd.s32 v0, v59  }
0xc6: {  	[tilespmem:$0x10390] =	vst v2;
	v2 =	vadd.s32 v0, v3;
	v3 =	vld [tilespmem:$0x101F0]  }
0xc7: {  	[tilespmem:$0x103A0] =	vst v2;
	v2 =	vadd.s32 v0, v60  }
0xc8: {  	[tilespmem:$0x103B0] =	vst v2;
	v2 =	vadd.s32 v0, v61  }
0xc9: {  	[tilespmem:$0x103C0] =	vst v2;
	v2 =	vadd.s32 v0, v62  }
0xca: {  	[tilespmem:$0x103D0] =	vst v2;
	v2 =	vadd.s32 v0, v63  }
0xcb: {  	[tilespmem:$0x103E0] =	vst v2;
	v2 =	vadd.s32 v0, v3  }
0xcc: {  	[tilespmem:$0x103F0] =	vst v2  }
0xcd: {  	[bflag:$0x0] =	sbarrier.arrive $0xFFFF  }
0xce: {  	_ =	swait.ge [sflag:s17], $0x4000  }
0xcf: {  	[sflag:s17] =	ssyncset.done $0x0  }
0xd0: {  	[sflag:s17] =	ssyncadd.s32 $0xFFFFC000  }
0xd1: {  	[spmem:s1] =	stream.indirect.scatter.add.f32 [tilespmem:s2], [sflag:$0x6], $0x80, s19, s18, $0xb8;
	[tilespmem:$0x11400] =	vst v63  }
0xd2: {  	_ =	swait.ge [sflag:s20], $0x4000  }
0xd3: {  	[sflag:s20] =	ssyncset.done $0x0  }
0xd4: {  	[sflag:s20] =	ssyncadd.s32 $0xFFFFC000  }
0xd5: {  	[spmem:s1] =	stream.indirect.scatter.add.f32 [tilespmem:s11], [sflag:$0x6], $0x80, s21, s18, $0xb8;
	[tilespmem:$0x11400] =	vst v63  }
0xd6: {  	_ =	swait.ge [sflag:s22], $0x4000  }
0xd7: {  	[sflag:s22] =	ssyncset.done $0x0  }
0xd8: {  	[sflag:s22] =	ssyncadd.s32 $0xFFFFC000  }
0xd9: {  	[spmem:s1] =	stream.indirect.scatter.add.f32 [tilespmem:s12], [sflag:$0x6], $0x80, s23, s18, $0xb8;
	[tilespmem:$0x11400] =	vst v63  }
0xda: {  	_ =	swait.ge [sflag:s24], $0x4000  }
0xdb: {  	[sflag:s24] =	ssyncset.done $0x0  }
0xdc: {  	[sflag:s24] =	ssyncadd.s32 $0xFFFFC000  }
0xdd: {  	[spmem:s1] =	stream.indirect.scatter.add.f32 [tilespmem:s13], [sflag:$0x6], $0x80, s25, s18, $0xb8;
	[tilespmem:$0x11400] =	vst v63  }
0xde: {  	_ =	swait.ge [sflag:s26], $0x4000  }
0xdf: {  	[sflag:s26] =	ssyncset.done $0x0  }
0xe0: {  	[sflag:s26] =	ssyncadd.s32 $0xFFFFC000  }
0xe1: {  	_ =	swait.ge [sflag:s26], $0x4000  }
0xe2: {  	[sflag:s26] =	ssyncset.done $0x0  }
0xe3: {  	[sflag:s26] =	ssyncadd.s32 $0xFFFFC000  }
0xe4: {  	_ =	swait.ge [sflag:s26], $0x4000  }
0xe5: {  	[sflag:s26] =	ssyncset.done $0x0  }
0xe6: {  	[sflag:s26] =	ssyncadd.s32 $0xFFFFC000  }
0xe7: {  	_ =	swait.ge [sflag:s26], $0x4000  }
0xe8: {  	[sflag:s26] =	ssyncset.done $0x0  }
0xe9: {  	s29 =	simm.s32 @!p0 $0x1C07;
	s9 =	sadd.s32 $0xFFFFFFFF, s9;
	[sflag:s26] =	ssyncadd.s32 $0xFFFFC000  }
0xea: {  	s28 =	sshrl.u32 @!p0 s1, $0x3;
	p1 =	sne.s32 s9, $0x0;
	[bflag:$0x0] =	sbarrier.arrive $0xFFFF  }
0xeb: {  	[hbm:s8], [sflag:s29] =	dma.local @!p0 [spmem:s28], $0x1000  }
.Ltmp0:
0xec: {  	_ = 	snop;
	(pc) =	sbr.rel @p1 .LBB2_1-.Ltmp0, $4  }
0xed: {  	s28 =	simm.s32 @!p0 $0x7  }
0xee: {  	_ =	swait.ge @!p0 [sflag:s28], $0x1000  }
0xef: {  	[sflag:s28] =	ssyncset.done @!p0 $0x0  }
0xf0: {  	[sflag:s28] =	ssyncadd.s32 @!p0 $0xFFFFF000  }
0xf1: {  	_ =	sfence.sel $0x180000  }
0xf2: {  	[bflag:$0x0] =	sbarrier.arrive $0xFFFF  }
0xf3: {  	_ =	strace $0x90000047  }
0xf4: {  	s0 =	sadd.s32 @!p0 $0x100000, s0;
	[bflag:$0x2] =	sbarrier.arrive $0xFFFF  }
0xf5: {  	[sflag:s0] =	ssyncadd.tile.s32 @!p0 $0x1;
	_ =	shalt  }
.Lfunc_end2:
_tile_overlayer_lowered:
.L_overlay_start_2:
0xf6: {  	(tag) =	ssettag $0x2  }
0xf7: {  	s0 =	rddreg [dreg:$0x0];
	s2 =	stileid.u32  }
0xf8: {  	s1 =	rddreg [dreg:$0x1];
	p0 =	sne.s32 s2, $0x0  }
0xf9: {  	s3 =	rddreg [dreg:$0x2];
	[bflag:$0x3] =	sbarrier.arrive $0xFFFF;
	s2 =	simm.s32 @!p0 $0x1C07  }
0xfa: {  	[timem:s3], [sflag:s2] =	dma.local @!p0 [hbm:s0], s1  }
0xfb: {  	s0 =	simm.s32 @!p0 $0x7  }
0xfc: {  	_ =	swait.ge @!p0 [sflag:s0], s1  }
0xfd: {  	s1 =	ssub.s32 @!p0 $0x0, s1;
	[sflag:s0] =	ssyncset.done @!p0 $0x0  }
0xfe: {  	[sflag:s0] =	ssyncadd.s32 @!p0 s1  }
0xff: {  	[bflag:$0x3] =	sbarrier.arrive $0xFFFF  }
0x100: {  	_ =	shalt  }

</sc_bundles>
